<compile_context>
chip_gen: v7x
topology: tpu7x:2x2x1
jax: 0.10.2.dev20260603
libtpu: 0.0.44.dev20260713+nightly
codegen_flags: <defaults>
</compile_context>

<pallas_src>
import functools

import jax
import jax.numpy as jnp
from jax import lax
from jax.experimental import pallas as pl
from jax.experimental.pallas import tpu as pltpu
from jax.experimental.pallas import tpu_sc as plsc

D = 64
MAXLEN = 200
NC = 2
NS = 16
NW = NC * NS
BT = 128


@jax.jit
def _run(x5, token_table, posr):
    B = NW * BT
    mesh = plsc.VectorSubcoreMesh(core_axis_name="c", subcore_axis_name="s")

    @functools.partial(
        pl.kernel,
        mesh=mesh,
        out_type=jax.ShapeDtypeStruct((MAXLEN, D // 8, NW, 8, BT), jnp.float32),
        scratch_types=[
            pltpu.VMEM((MAXLEN // 8, 8, BT), jnp.int32),
            pltpu.VMEM((MAXLEN * D,), jnp.float32),
            pltpu.VMEM((BT, D), jnp.float32),
            pltpu.VMEM((BT, D), jnp.float32),
            pltpu.VMEM((D, BT + 1), jnp.float32),
            pltpu.VMEM((D, BT + 1), jnp.float32),
            pltpu.SemaphoreType.DMA,
            pltpu.SemaphoreType.DMA,
            pltpu.SemaphoreType.DMA,
            pltpu.SemaphoreType.DMA,
        ],
        compiler_params=pltpu.CompilerParams(use_tc_tiling_on_sc=False,
                                             needs_layout_passes=False),
    )
    def k(x_hbm, tok_hbm, pos_hbm, out_hbm,
          idxv, posv, buf0, buf1, obuf0, obuf1, gsem0, gsem1, wsem0, wsem1):
        w = lax.axis_index("s") * NC + lax.axis_index("c")
        buf = (buf0, buf1)
        obuf = (obuf0, obuf1)
        gsem = (gsem0, gsem1)
        wsem = (wsem0, wsem1)

        pltpu.sync_copy(x_hbm.at[w], idxv)
        pltpu.sync_copy(pos_hbm, posv)
        iota16 = lax.iota(jnp.int32, 16)
        zeros16 = jnp.zeros((16,), jnp.int32)
        riota = [iota16 + (16 * g) for g in range(BT // 16)]

        def idx_ref(s):
            return idxv.at[s // 8, s % 8]

        def fire_gather(p, s):
            pltpu.async_copy(tok_hbm.at[idx_ref(s)], buf[p], gsem[p])

        def wait_gather(p, s):
            pltpu.make_async_copy(tok_hbm.at[idx_ref(s)], buf[p],
                                  gsem[p]).wait()

        def fire_write(p, s):
            for c1 in range(D // 8):
                pltpu.async_copy(obuf[p].at[pl.ds(8 * c1, 8), pl.ds(0, BT)],
                                 out_hbm.at[s, c1, w], wsem[p])

        def wait_write(p, s):
            for c1 in range(D // 8):
                pltpu.make_async_copy(
                    obuf[p].at[pl.ds(8 * c1, 8), pl.ds(0, BT)],
                    out_hbm.at[s, c1, w], wsem[p]).wait()

        def transpose_add(p, s):
            bp, op = buf[p], obuf[p]
            sD = s * D
            pv = [posv[pl.ds(sD + 16 * cg, 16)] for cg in range(D // 16)]

            @plsc.parallel_loop(0, BT, unroll=2)
            def rbody(r):
                rr = zeros16 + r
                for cg in range(D // 16):
                    v = bp[r, pl.ds(16 * cg, 16)] + pv[cg]
                    plsc.store_scatter(op, [riota[cg], rr], v)

        fire_gather(0, 0)

        def body(t, carry):
            s0 = 2 * t
            fire_gather(1, s0 + 1)
            wait_gather(0, s0)

            @pl.when(t >= 1)
            def _():
                wait_write(0, s0 - 2)

            transpose_add(0, s0)
            fire_write(0, s0)

            @pl.when(t < MAXLEN // 2 - 1)
            def _():
                fire_gather(0, s0 + 2)

            wait_gather(1, s0 + 1)

            @pl.when(t >= 1)
            def _():
                wait_write(1, s0 - 1)

            transpose_add(1, s0 + 1)
            fire_write(1, s0 + 1)
            return carry

        lax.fori_loop(0, MAXLEN // 2, body, 0)
        wait_write(0, MAXLEN - 2)
        wait_write(1, MAXLEN - 1)

    return k(x5, token_table, posr)


def kernel(x, token_table, pos_table):
    B, S = x.shape
    x5 = x.T.reshape(S // 8, 8, B // BT, BT).transpose(2, 0, 1, 3)
    posr = pos_table.reshape(-1)
    out5 = _run(x5, token_table, posr)
    return out5.transpose(2, 4, 0, 1, 3).reshape(B, S, D)

# --- scband reference (transcript-rebuilt; emitter-appended) ---
"""Pipeline reference for scband-token-and-position-embedding-27127013441871 (READ-ONLY COPY).

The authoritative reference and input builder live on the scoring server;
editing this copy changes nothing except your own understanding.
"""

import jax, jax.numpy as jnp
import numpy as np

VOCAB = 1000000
MAXLEN = 200
EMBED_DIM = 64
BATCH = 4096
SEQ = 200

def setup_inputs(seed: int = 0) -> dict:
    key = jax.random.key(seed)
    k1, k2, k3 = jax.random.split(key, 3)
    x = jax.random.randint(k1, (BATCH, SEQ), 0, VOCAB, dtype=jnp.int64 if jax.config.jax_enable_x64 else jnp.int32)
    token_table = jax.random.normal(k2, (VOCAB, EMBED_DIM), dtype=jnp.float32) * 0.02
    pos_table = jax.random.normal(k3, (MAXLEN, EMBED_DIM), dtype=jnp.float32) * 0.02
    return {"x": x, "token_table": token_table, "pos_table": pos_table}

def reference(x, token_table, pos_table):
    positions = jnp.arange(0, x.shape[1])[None, :]
    position_embedding = jnp.take(pos_table, positions, axis=0)
    token_embedding = jnp.take(token_table, x, axis=0)
    return token_embedding + position_embedding

if __name__ == "__main__":
    import jax
    _d = setup_inputs()
    print(jax.jit(kernel)(*tuple(_d.values())))

</pallas_src>

<mosaic_0001>
#map = affine_map<(d0, d1) -> (0, 0, 0, 0)>
#map1 = affine_map<(d0, d1) -> (0, 0)>
#map2 = affine_map<(d0, d1) -> (0)>
#map3 = affine_map<(d0, d1) -> (0, 0, 0, 0, 0)>
module attributes {stable_mosaic.version = 14 : i64} {
  func.func @k(%arg0: i32, %arg1: i32, %arg2: memref<32x25x8x128xi32, #tpu.memory_space<hbm>>, %arg3: memref<1000000x64xf32, #tpu.memory_space<hbm>>, %arg4: memref<12800xf32, #tpu.memory_space<hbm>>, %arg5: memref<200x8x32x8x128xf32, #tpu.memory_space<hbm>>, %arg6: memref<25x8x128xi32, #tpu.memory_space<vmem>>, %arg7: memref<12800xf32, #tpu.memory_space<vmem>>, %arg8: memref<128x64xf32, #tpu.memory_space<vmem>>, %arg9: memref<128x64xf32, #tpu.memory_space<vmem>>, %arg10: memref<64x129xf32, #tpu.memory_space<vmem>>, %arg11: memref<64x129xf32, #tpu.memory_space<vmem>>, %arg12: memref<!tpu.dma_semaphore, #tpu.memory_space<semaphore_mem>>, %arg13: memref<!tpu.dma_semaphore, #tpu.memory_space<semaphore_mem>>, %arg14: memref<!tpu.dma_semaphore, #tpu.memory_space<semaphore_mem>>, %arg15: memref<!tpu.dma_semaphore, #tpu.memory_space<semaphore_mem>>) attributes {dimension_semantics = [#tpu.dimension_semantics<core_parallel>, #tpu.dimension_semantics<subcore_parallel>], iteration_bounds = array<i64: 2, 16>, scalar_prefetch = 0 : i64, scratch_operands = 10 : i64, tpu.core_type = #tpu.core_type<sc_vector_subcore>, window_params = [{transform_indices = #map}, {transform_indices = #map1}, {transform_indices = #map2}, {transform_indices = #map3}]} {
    %mul3A = arith.constant 2 : i32
    %mul3A_0 = arith.muli %arg1, %mul3A : i32
    %add3A = arith.addi %mul3A_0, %arg0 : i32
    "tpu.region"() ({
      %run_scoped3A = tpu.sem_alloc : memref<!tpu.dma_semaphore, #tpu.memory_space<semaphore_mem>>
      %dma_start3A_293 = arith.constant 0 : i32
      %dma_start3A_294 = arith.constant 0 : i32
      %dma_start3A_295 = arith.constant 0 : i32
      %dma_start3A_296 = tpu.memref_slice %arg2[%add3A, %dma_start3A_293, %dma_start3A_294, %dma_start3A_295] : memref<32x25x8x128xi32, #tpu.memory_space<hbm>> -> memref<1x25x8x128xi32, #tpu.memory_space<hbm>>
      %dma_start3A_297 = tpu.memref_squeeze %dma_start3A_296 : memref<1x25x8x128xi32, #tpu.memory_space<hbm>> -> memref<25x8x128xi32, #tpu.memory_space<hbm>>
      %dma_start3A_298 = arith.constant 0 : i32
      %dma_start3A_299 = arith.constant 0 : i32
      %dma_start3A_300 = arith.constant 0 : i32
      %dma_start3A_301 = tpu.memref_slice %arg2[%add3A, %dma_start3A_298, %dma_start3A_299, %dma_start3A_300] : memref<32x25x8x128xi32, #tpu.memory_space<hbm>> -> memref<1x25x8x128xi32, #tpu.memory_space<hbm>>
      %dma_start3A_302 = tpu.memref_squeeze %dma_start3A_301 : memref<1x25x8x128xi32, #tpu.memory_space<hbm>> -> memref<25x8x128xi32, #tpu.memory_space<hbm>>
      tpu.enqueue_dma source(%dma_start3A_302 : memref<25x8x128xi32, #tpu.memory_space<hbm>>) target(%arg6 : memref<25x8x128xi32, #tpu.memory_space<vmem>>) target_semaphore(%run_scoped3A : memref<!tpu.dma_semaphore, #tpu.memory_space<semaphore_mem>>)
      %dma_wait3A_303 = arith.constant 0 : i32
      %dma_wait3A_304 = arith.constant 0 : i32
      %dma_wait3A_305 = arith.constant 0 : i32
      %dma_wait3A_306 = tpu.memref_slice %arg2[%add3A, %dma_wait3A_303, %dma_wait3A_304, %dma_wait3A_305] : memref<32x25x8x128xi32, #tpu.memory_space<hbm>> -> memref<1x25x8x128xi32, #tpu.memory_space<hbm>>
      %dma_wait3A_307 = tpu.memref_squeeze %dma_wait3A_306 : memref<1x25x8x128xi32, #tpu.memory_space<hbm>> -> memref<25x8x128xi32, #tpu.memory_space<hbm>>
      %dma_wait3A_308 = arith.constant 0 : i32
      %dma_wait3A_309 = arith.constant 0 : i32
      %dma_wait3A_310 = arith.constant 0 : i32
      %dma_wait3A_311 = tpu.memref_slice %arg2[%add3A, %dma_wait3A_308, %dma_wait3A_309, %dma_wait3A_310] : memref<32x25x8x128xi32, #tpu.memory_space<hbm>> -> memref<1x25x8x128xi32, #tpu.memory_space<hbm>>
      %dma_wait3A_312 = tpu.memref_squeeze %dma_wait3A_311 : memref<1x25x8x128xi32, #tpu.memory_space<hbm>> -> memref<25x8x128xi32, #tpu.memory_space<hbm>>
      tpu.wait_dma2 semaphore(%run_scoped3A : memref<!tpu.dma_semaphore, #tpu.memory_space<semaphore_mem>>) src(%dma_wait3A_312 : memref<25x8x128xi32, #tpu.memory_space<hbm>>) dst(%arg6 : memref<25x8x128xi32, #tpu.memory_space<vmem>>)
      tpu.yield
    }) : () -> ()
    "tpu.region"() ({
      %run_scoped3A = tpu.sem_alloc : memref<!tpu.dma_semaphore, #tpu.memory_space<semaphore_mem>>
      tpu.enqueue_dma source(%arg4 : memref<12800xf32, #tpu.memory_space<hbm>>) target(%arg7 : memref<12800xf32, #tpu.memory_space<vmem>>) target_semaphore(%run_scoped3A : memref<!tpu.dma_semaphore, #tpu.memory_space<semaphore_mem>>)
      tpu.wait_dma2 semaphore(%run_scoped3A : memref<!tpu.dma_semaphore, #tpu.memory_space<semaphore_mem>>) src(%arg4 : memref<12800xf32, #tpu.memory_space<hbm>>) dst(%arg7 : memref<12800xf32, #tpu.memory_space<vmem>>)
      tpu.yield
    }) : () -> ()
    %iota3A = tpu.iota {dimensions = array<i32: 0>} : vector<16xi32>
    %broadcast_in_dim3A = arith.constant 0 : i32
    %broadcast_in_dim3A_1 = vector.broadcast %broadcast_in_dim3A : i32 to vector<16xi32>
    %add3A_2 = arith.constant 0 : i32
    %add3A_3 = vector.broadcast %add3A_2 : i32 to vector<16xi32>
    %add3A_4 = arith.addi %iota3A, %add3A_3 : vector<16xi32>
    %add3A_5 = arith.constant 16 : i32
    %add3A_6 = vector.broadcast %add3A_5 : i32 to vector<16xi32>
    %add3A_7 = arith.addi %iota3A, %add3A_6 : vector<16xi32>
    %add3A_8 = arith.constant 32 : i32
    %add3A_9 = vector.broadcast %add3A_8 : i32 to vector<16xi32>
    %add3A_10 = arith.addi %iota3A, %add3A_9 : vector<16xi32>
    %add3A_11 = arith.constant 48 : i32
    %add3A_12 = vector.broadcast %add3A_11 : i32 to vector<16xi32>
    %add3A_13 = arith.addi %iota3A, %add3A_12 : vector<16xi32>
    %add3A_14 = arith.constant 64 : i32
    %add3A_15 = vector.broadcast %add3A_14 : i32 to vector<16xi32>
    %add3A_16 = arith.addi %iota3A, %add3A_15 : vector<16xi32>
    %add3A_17 = arith.constant 80 : i32
    %add3A_18 = vector.broadcast %add3A_17 : i32 to vector<16xi32>
    %add3A_19 = arith.addi %iota3A, %add3A_18 : vector<16xi32>
    %add3A_20 = arith.constant 96 : i32
    %add3A_21 = vector.broadcast %add3A_20 : i32 to vector<16xi32>
    %add3A_22 = arith.addi %iota3A, %add3A_21 : vector<16xi32>
    %add3A_23 = arith.constant 112 : i32
    %add3A_24 = vector.broadcast %add3A_23 : i32 to vector<16xi32>
    %add3A_25 = arith.addi %iota3A, %add3A_24 : vector<16xi32>
    %dma_start3A = arith.constant 0 : i32
    %dma_start3A_26 = arith.constant 0 : i32
    %dma_start3A_27 = arith.constant 0 : i32
    %dma_start3A_28 = tpu.memref_slice %arg6[%dma_start3A, %dma_start3A_26, %dma_start3A_27] : memref<25x8x128xi32, #tpu.memory_space<vmem>> -> memref<1x1x128xi32, #tpu.memory_space<vmem>>
    %dma_start3A_29 = tpu.memref_squeeze %dma_start3A_28 : memref<1x1x128xi32, #tpu.memory_space<vmem>> -> memref<128xi32, #tpu.memory_space<vmem>>
    %dma_start3A_30 = arith.constant 0 : i32
    %dma_start3A_31 = arith.constant 0 : i32
    %dma_start3A_32 = tpu.memref_slice %arg3[%dma_start3A_30, %dma_start3A_31] : memref<1000000x64xf32, #tpu.memory_space<hbm>> -> memref<1000000x64xf32, #tpu.memory_space<hbm>>
    tpu.enqueue_indirect_dma source(%dma_start3A_32 : memref<1000000x64xf32, #tpu.memory_space<hbm>>) target(%arg8 : memref<128x64xf32, #tpu.memory_space<vmem>>) offsets(%dma_start3A_29 : memref<128xi32, #tpu.memory_space<vmem>>) semaphore(%arg12 : memref<!tpu.dma_semaphore, #tpu.memory_space<semaphore_mem>>)
    %scan3A = arith.constant 0 : i32
    %scan3A_33 = arith.constant 0 : i32
    %scan3A_34 = arith.constant 100 : i32
    %scan3A_35 = arith.addi %scan3A_33, %scan3A_34 : i32
    %scan3A_36 = arith.constant 1 : i32
    scf.for %scan3A_293 = %scan3A_33 to %scan3A_35 step %scan3A_36  : i32 {
      %mul3A_294 = arith.constant 2 : i32
      %mul3A_295 = arith.muli %mul3A_294, %scan3A_293 : i32
      %add3A_296 = arith.constant 1 : i32
      %add3A_297 = arith.addi %mul3A_295, %add3A_296 : i32
      %jit3A = arith.constant 8 : i32
      %div3A = arith.divsi %add3A_297, %jit3A : i32
      %sign3A = arith.constant 0 : i32
      %sign3A_298 = arith.cmpi sgt, %add3A_297, %sign3A : i32
      %sign3A_299 = arith.extui %sign3A_298 : i1 to i32
      %sign3A_300 = arith.constant 0 : i32
      %sign3A_301 = arith.cmpi slt, %add3A_297, %sign3A_300 : i32
      %sign3A_302 = arith.extui %sign3A_301 : i1 to i32
      %sign3A_303 = arith.subi %sign3A_299, %sign3A_302 : i32
      %sign3A_304 = arith.constant 0 : i32
      %sign3A_305 = arith.cmpi sgt, %jit3A, %sign3A_304 : i32
      %sign3A_306 = arith.extui %sign3A_305 : i1 to i32
      %sign3A_307 = arith.constant 0 : i32
      %sign3A_308 = arith.cmpi slt, %jit3A, %sign3A_307 : i32
      %sign3A_309 = arith.extui %sign3A_308 : i1 to i32
      %sign3A_310 = arith.subi %sign3A_306, %sign3A_309 : i32
      %ne3A = arith.cmpi ne, %sign3A_303, %sign3A_310 : i32
      %rem3A = arith.remsi %add3A_297, %jit3A : i32
      %ne3A_311 = arith.constant 0 : i32
      %ne3A_312 = arith.cmpi ne, %rem3A, %ne3A_311 : i32
      %and3A = arith.andi %ne3A, %ne3A_312 : i1
      %sub3A = arith.constant 1 : i32
      %sub3A_313 = arith.subi %div3A, %sub3A : i32
      %select_n3A = arith.select %and3A, %sub3A_313, %div3A : i32
      %jit3A_314 = arith.constant 8 : i32
      %eq3A = arith.constant 0 : i32
      %eq3A_315 = arith.cmpi eq, %jit3A_314, %eq3A : i32
      %jit3A_316 = arith.constant 1 : i32
      %select_n3A_317 = arith.select %eq3A_315, %jit3A_316, %jit3A_314 : i32
      %rem3A_318 = arith.remsi %add3A_297, %select_n3A_317 : i32
      %ne3A_319 = arith.constant 0 : i32
      %ne3A_320 = arith.cmpi ne, %rem3A_318, %ne3A_319 : i32
      %lt3A = arith.constant 0 : i32
      %lt3A_321 = arith.cmpi slt, %rem3A_318, %lt3A : i32
      %lt3A_322 = arith.constant 0 : i32
      %lt3A_323 = arith.cmpi slt, %select_n3A_317, %lt3A_322 : i32
      %ne3A_324 = arith.xori %lt3A_321, %lt3A_323 : i1
      %and3A_325 = arith.andi %ne3A_324, %ne3A_320 : i1
      %add3A_326 = arith.addi %rem3A_318, %select_n3A_317 : i32
      %select_n3A_327 = arith.select %and3A_325, %add3A_326, %rem3A_318 : i32
      %dma_start3A_328 = arith.constant 0 : i32
      %dma_start3A_329 = tpu.memref_slice %arg6[%select_n3A, %select_n3A_327, %dma_start3A_328] : memref<25x8x128xi32, #tpu.memory_space<vmem>> -> memref<1x1x128xi32, #tpu.memory_space<vmem>>
      %dma_start3A_330 = tpu.memref_squeeze %dma_start3A_329 : memref<1x1x128xi32, #tpu.memory_space<vmem>> -> memref<128xi32, #tpu.memory_space<vmem>>
      %dma_start3A_331 = arith.constant 0 : i32
      %dma_start3A_332 = arith.constant 0 : i32
      %dma_start3A_333 = tpu.memref_slice %arg3[%dma_start3A_331, %dma_start3A_332] : memref<1000000x64xf32, #tpu.memory_space<hbm>> -> memref<1000000x64xf32, #tpu.memory_space<hbm>>
      tpu.enqueue_indirect_dma source(%dma_start3A_333 : memref<1000000x64xf32, #tpu.memory_space<hbm>>) target(%arg9 : memref<128x64xf32, #tpu.memory_space<vmem>>) offsets(%dma_start3A_330 : memref<128xi32, #tpu.memory_space<vmem>>) semaphore(%arg13 : memref<!tpu.dma_semaphore, #tpu.memory_space<semaphore_mem>>)
      %jit3A_334 = arith.constant 8 : i32
      %div3A_335 = arith.divsi %mul3A_295, %jit3A_334 : i32
      %sign3A_336 = arith.constant 0 : i32
      %sign3A_337 = arith.cmpi sgt, %mul3A_295, %sign3A_336 : i32
      %sign3A_338 = arith.extui %sign3A_337 : i1 to i32
      %sign3A_339 = arith.constant 0 : i32
      %sign3A_340 = arith.cmpi slt, %mul3A_295, %sign3A_339 : i32
      %sign3A_341 = arith.extui %sign3A_340 : i1 to i32
      %sign3A_342 = arith.subi %sign3A_338, %sign3A_341 : i32
      %sign3A_343 = arith.constant 0 : i32
      %sign3A_344 = arith.cmpi sgt, %jit3A_334, %sign3A_343 : i32
      %sign3A_345 = arith.extui %sign3A_344 : i1 to i32
      %sign3A_346 = arith.constant 0 : i32
      %sign3A_347 = arith.cmpi slt, %jit3A_334, %sign3A_346 : i32
      %sign3A_348 = arith.extui %sign3A_347 : i1 to i32
      %sign3A_349 = arith.subi %sign3A_345, %sign3A_348 : i32
      %ne3A_350 = arith.cmpi ne, %sign3A_342, %sign3A_349 : i32
      %rem3A_351 = arith.remsi %mul3A_295, %jit3A_334 : i32
      %ne3A_352 = arith.constant 0 : i32
      %ne3A_353 = arith.cmpi ne, %rem3A_351, %ne3A_352 : i32
      %and3A_354 = arith.andi %ne3A_350, %ne3A_353 : i1
      %sub3A_355 = arith.constant 1 : i32
      %sub3A_356 = arith.subi %div3A_335, %sub3A_355 : i32
      %select_n3A_357 = arith.select %and3A_354, %sub3A_356, %div3A_335 : i32
      %jit3A_358 = arith.constant 8 : i32
      %eq3A_359 = arith.constant 0 : i32
      %eq3A_360 = arith.cmpi eq, %jit3A_358, %eq3A_359 : i32
      %jit3A_361 = arith.constant 1 : i32
      %select_n3A_362 = arith.select %eq3A_360, %jit3A_361, %jit3A_358 : i32
      %rem3A_363 = arith.remsi %mul3A_295, %select_n3A_362 : i32
      %ne3A_364 = arith.constant 0 : i32
      %ne3A_365 = arith.cmpi ne, %rem3A_363, %ne3A_364 : i32
      %lt3A_366 = arith.constant 0 : i32
      %lt3A_367 = arith.cmpi slt, %rem3A_363, %lt3A_366 : i32
      %lt3A_368 = arith.constant 0 : i32
      %lt3A_369 = arith.cmpi slt, %select_n3A_362, %lt3A_368 : i32
      %ne3A_370 = arith.xori %lt3A_367, %lt3A_369 : i1
      %and3A_371 = arith.andi %ne3A_370, %ne3A_365 : i1
      %add3A_372 = arith.addi %rem3A_363, %select_n3A_362 : i32
      %select_n3A_373 = arith.select %and3A_371, %add3A_372, %rem3A_363 : i32
      %dma_wait3A_374 = arith.constant 0 : i32
      %dma_wait3A_375 = tpu.memref_slice %arg6[%select_n3A_357, %select_n3A_373, %dma_wait3A_374] : memref<25x8x128xi32, #tpu.memory_space<vmem>> -> memref<1x1x128xi32, #tpu.memory_space<vmem>>
      %dma_wait3A_376 = tpu.memref_squeeze %dma_wait3A_375 : memref<1x1x128xi32, #tpu.memory_space<vmem>> -> memref<128xi32, #tpu.memory_space<vmem>>
      %dma_wait3A_377 = arith.constant 0 : i32
      %dma_wait3A_378 = arith.constant 0 : i32
      %dma_wait3A_379 = tpu.memref_slice %arg3[%dma_wait3A_377, %dma_wait3A_378] : memref<1000000x64xf32, #tpu.memory_space<hbm>> -> memref<1000000x64xf32, #tpu.memory_space<hbm>>
      tpu.wait_indirect_dma semaphore(%arg12 : memref<!tpu.dma_semaphore, #tpu.memory_space<semaphore_mem>>) src(%dma_wait3A_379 : memref<1000000x64xf32, #tpu.memory_space<hbm>>) dst(%arg8 : memref<128x64xf32, #tpu.memory_space<vmem>>)
      %ge3A = arith.constant 1 : i32
      %ge3A_380 = arith.cmpi sge, %scan3A_293, %ge3A : i32
      %convert_element_type3A = arith.extui %ge3A_380 : i1 to i32
      %cond3A = arith.constant 0 : i32
      %cond3A_381 = arith.cmpi ne, %convert_element_type3A, %cond3A : i32
      scf.if %cond3A_381 {
        %sub3A_724 = arith.constant 2 : i32
        %sub3A_725 = arith.subi %mul3A_295, %sub3A_724 : i32
        %dma_wait3A_726 = arith.constant 0 : i32
        %dma_wait3A_727 = arith.constant 0 : i32
        %dma_wait3A_728 = arith.constant 0 : i32
        %dma_wait3A_729 = tpu.memref_slice %arg10[%dma_wait3A_727, %dma_wait3A_728] : memref<64x129xf32, #tpu.memory_space<vmem>> -> memref<8x128xf32, #tpu.memory_space<vmem>>
        %dma_wait3A_730 = arith.constant 0 : i32
        %dma_wait3A_731 = arith.constant 0 : i32
        %dma_wait3A_732 = tpu.memref_slice %arg5[%sub3A_725, %dma_wait3A_726, %add3A, %dma_wait3A_730, %dma_wait3A_731] : memref<200x8x32x8x128xf32, #tpu.memory_space<hbm>> -> memref<1x1x1x8x128xf32, #tpu.memory_space<hbm>>
        %dma_wait3A_733 = tpu.memref_squeeze %dma_wait3A_732 : memref<1x1x1x8x128xf32, #tpu.memory_space<hbm>> -> memref<8x128xf32, #tpu.memory_space<hbm>>
        %dma_wait3A_734 = arith.constant 0 : i32
        %dma_wait3A_735 = arith.constant 0 : i32
        %dma_wait3A_736 = tpu.memref_slice %arg5[%sub3A_725, %dma_wait3A_726, %add3A, %dma_wait3A_734, %dma_wait3A_735] : memref<200x8x32x8x128xf32, #tpu.memory_space<hbm>> -> memref<1x1x1x8x128xf32, #tpu.memory_space<hbm>>
        %dma_wait3A_737 = tpu.memref_squeeze %dma_wait3A_736 : memref<1x1x1x8x128xf32, #tpu.memory_space<hbm>> -> memref<8x128xf32, #tpu.memory_space<hbm>>
        %dma_wait3A_738 = arith.constant 0 : i32
        %dma_wait3A_739 = arith.constant 0 : i32
        %dma_wait3A_740 = tpu.memref_slice %arg10[%dma_wait3A_738, %dma_wait3A_739] : memref<64x129xf32, #tpu.memory_space<vmem>> -> memref<8x128xf32, #tpu.memory_space<vmem>>
        tpu.wait_dma2 semaphore(%arg14 : memref<!tpu.dma_semaphore, #tpu.memory_space<semaphore_mem>>) src(%dma_wait3A_740 : memref<8x128xf32, #tpu.memory_space<vmem>>) dst(%dma_wait3A_737 : memref<8x128xf32, #tpu.memory_space<hbm>>)
        %dma_wait3A_741 = arith.constant 1 : i32
        %dma_wait3A_742 = arith.constant 8 : i32
        %dma_wait3A_743 = arith.constant 0 : i32
        %dma_wait3A_744 = tpu.memref_slice %arg10[%dma_wait3A_742, %dma_wait3A_743] : memref<64x129xf32, #tpu.memory_space<vmem>> -> memref<8x128xf32, #tpu.memory_space<vmem>>
        %dma_wait3A_745 = arith.constant 0 : i32
        %dma_wait3A_746 = arith.constant 0 : i32
        %dma_wait3A_747 = tpu.memref_slice %arg5[%sub3A_725, %dma_wait3A_741, %add3A, %dma_wait3A_745, %dma_wait3A_746] : memref<200x8x32x8x128xf32, #tpu.memory_space<hbm>> -> memref<1x1x1x8x128xf32, #tpu.memory_space<hbm>>
        %dma_wait3A_748 = tpu.memref_squeeze %dma_wait3A_747 : memref<1x1x1x8x128xf32, #tpu.memory_space<hbm>> -> memref<8x128xf32, #tpu.memory_space<hbm>>
        %dma_wait3A_749 = arith.constant 0 : i32
        %dma_wait3A_750 = arith.constant 0 : i32
        %dma_wait3A_751 = tpu.memref_slice %arg5[%sub3A_725, %dma_wait3A_741, %add3A, %dma_wait3A_749, %dma_wait3A_750] : memref<200x8x32x8x128xf32, #tpu.memory_space<hbm>> -> memref<1x1x1x8x128xf32, #tpu.memory_space<hbm>>
        %dma_wait3A_752 = tpu.memref_squeeze %dma_wait3A_751 : memref<1x1x1x8x128xf32, #tpu.memory_space<hbm>> -> memref<8x128xf32, #tpu.memory_space<hbm>>
        %dma_wait3A_753 = arith.constant 8 : i32
        %dma_wait3A_754 = arith.constant 0 : i32
        %dma_wait3A_755 = tpu.memref_slice %arg10[%dma_wait3A_753, %dma_wait3A_754] : memref<64x129xf32, #tpu.memory_space<vmem>> -> memref<8x128xf32, #tpu.memory_space<vmem>>
        tpu.wait_dma2 semaphore(%arg14 : memref<!tpu.dma_semaphore, #tpu.memory_space<semaphore_mem>>) src(%dma_wait3A_755 : memref<8x128xf32, #tpu.memory_space<vmem>>) dst(%dma_wait3A_752 : memref<8x128xf32, #tpu.memory_space<hbm>>)
        %dma_wait3A_756 = arith.constant 2 : i32
        %dma_wait3A_757 = arith.constant 16 : i32
        %dma_wait3A_758 = arith.constant 0 : i32
        %dma_wait3A_759 = tpu.memref_slice %arg10[%dma_wait3A_757, %dma_wait3A_758] : memref<64x129xf32, #tpu.memory_space<vmem>> -> memref<8x128xf32, #tpu.memory_space<vmem>>
        %dma_wait3A_760 = arith.constant 0 : i32
        %dma_wait3A_761 = arith.constant 0 : i32
        %dma_wait3A_762 = tpu.memref_slice %arg5[%sub3A_725, %dma_wait3A_756, %add3A, %dma_wait3A_760, %dma_wait3A_761] : memref<200x8x32x8x128xf32, #tpu.memory_space<hbm>> -> memref<1x1x1x8x128xf32, #tpu.memory_space<hbm>>
        %dma_wait3A_763 = tpu.memref_squeeze %dma_wait3A_762 : memref<1x1x1x8x128xf32, #tpu.memory_space<hbm>> -> memref<8x128xf32, #tpu.memory_space<hbm>>
        %dma_wait3A_764 = arith.constant 0 : i32
        %dma_wait3A_765 = arith.constant 0 : i32
        %dma_wait3A_766 = tpu.memref_slice %arg5[%sub3A_725, %dma_wait3A_756, %add3A, %dma_wait3A_764, %dma_wait3A_765] : memref<200x8x32x8x128xf32, #tpu.memory_space<hbm>> -> memref<1x1x1x8x128xf32, #tpu.memory_space<hbm>>
        %dma_wait3A_767 = tpu.memref_squeeze %dma_wait3A_766 : memref<1x1x1x8x128xf32, #tpu.memory_space<hbm>> -> memref<8x128xf32, #tpu.memory_space<hbm>>
        %dma_wait3A_768 = arith.constant 16 : i32
        %dma_wait3A_769 = arith.constant 0 : i32
        %dma_wait3A_770 = tpu.memref_slice %arg10[%dma_wait3A_768, %dma_wait3A_769] : memref<64x129xf32, #tpu.memory_space<vmem>> -> memref<8x128xf32, #tpu.memory_space<vmem>>
        tpu.wait_dma2 semaphore(%arg14 : memref<!tpu.dma_semaphore, #tpu.memory_space<semaphore_mem>>) src(%dma_wait3A_770 : memref<8x128xf32, #tpu.memory_space<vmem>>) dst(%dma_wait3A_767 : memref<8x128xf32, #tpu.memory_space<hbm>>)
        %dma_wait3A_771 = arith.constant 3 : i32
        %dma_wait3A_772 = arith.constant 24 : i32
        %dma_wait3A_773 = arith.constant 0 : i32
        %dma_wait3A_774 = tpu.memref_slice %arg10[%dma_wait3A_772, %dma_wait3A_773] : memref<64x129xf32, #tpu.memory_space<vmem>> -> memref<8x128xf32, #tpu.memory_space<vmem>>
        %dma_wait3A_775 = arith.constant 0 : i32
        %dma_wait3A_776 = arith.constant 0 : i32
        %dma_wait3A_777 = tpu.memref_slice %arg5[%sub3A_725, %dma_wait3A_771, %add3A, %dma_wait3A_775, %dma_wait3A_776] : memref<200x8x32x8x128xf32, #tpu.memory_space<hbm>> -> memref<1x1x1x8x128xf32, #tpu.memory_space<hbm>>
        %dma_wait3A_778 = tpu.memref_squeeze %dma_wait3A_777 : memref<1x1x1x8x128xf32, #tpu.memory_space<hbm>> -> memref<8x128xf32, #tpu.memory_space<hbm>>
        %dma_wait3A_779 = arith.constant 0 : i32
        %dma_wait3A_780 = arith.constant 0 : i32
        %dma_wait3A_781 = tpu.memref_slice %arg5[%sub3A_725, %dma_wait3A_771, %add3A, %dma_wait3A_779, %dma_wait3A_780] : memref<200x8x32x8x128xf32, #tpu.memory_space<hbm>> -> memref<1x1x1x8x128xf32, #tpu.memory_space<hbm>>
        %dma_wait3A_782 = tpu.memref_squeeze %dma_wait3A_781 : memref<1x1x1x8x128xf32, #tpu.memory_space<hbm>> -> memref<8x128xf32, #tpu.memory_space<hbm>>
        %dma_wait3A_783 = arith.constant 24 : i32
        %dma_wait3A_784 = arith.constant 0 : i32
        %dma_wait3A_785 = tpu.memref_slice %arg10[%dma_wait3A_783, %dma_wait3A_784] : memref<64x129xf32, #tpu.memory_space<vmem>> -> memref<8x128xf32, #tpu.memory_space<vmem>>
        tpu.wait_dma2 semaphore(%arg14 : memref<!tpu.dma_semaphore, #tpu.memory_space<semaphore_mem>>) src(%dma_wait3A_785 : memref<8x128xf32, #tpu.memory_space<vmem>>) dst(%dma_wait3A_782 : memref<8x128xf32, #tpu.memory_space<hbm>>)
        %dma_wait3A_786 = arith.constant 4 : i32
        %dma_wait3A_787 = arith.constant 32 : i32
        %dma_wait3A_788 = arith.constant 0 : i32
        %dma_wait3A_789 = tpu.memref_slice %arg10[%dma_wait3A_787, %dma_wait3A_788] : memref<64x129xf32, #tpu.memory_space<vmem>> -> memref<8x128xf32, #tpu.memory_space<vmem>>
        %dma_wait3A_790 = arith.constant 0 : i32
        %dma_wait3A_791 = arith.constant 0 : i32
        %dma_wait3A_792 = tpu.memref_slice %arg5[%sub3A_725, %dma_wait3A_786, %add3A, %dma_wait3A_790, %dma_wait3A_791] : memref<200x8x32x8x128xf32, #tpu.memory_space<hbm>> -> memref<1x1x1x8x128xf32, #tpu.memory_space<hbm>>
        %dma_wait3A_793 = tpu.memref_squeeze %dma_wait3A_792 : memref<1x1x1x8x128xf32, #tpu.memory_space<hbm>> -> memref<8x128xf32, #tpu.memory_space<hbm>>
        %dma_wait3A_794 = arith.constant 0 : i32
        %dma_wait3A_795 = arith.constant 0 : i32
        %dma_wait3A_796 = tpu.memref_slice %arg5[%sub3A_725, %dma_wait3A_786, %add3A, %dma_wait3A_794, %dma_wait3A_795] : memref<200x8x32x8x128xf32, #tpu.memory_space<hbm>> -> memref<1x1x1x8x128xf32, #tpu.memory_space<hbm>>
        %dma_wait3A_797 = tpu.memref_squeeze %dma_wait3A_796 : memref<1x1x1x8x128xf32, #tpu.memory_space<hbm>> -> memref<8x128xf32, #tpu.memory_space<hbm>>
        %dma_wait3A_798 = arith.constant 32 : i32
        %dma_wait3A_799 = arith.constant 0 : i32
        %dma_wait3A_800 = tpu.memref_slice %arg10[%dma_wait3A_798, %dma_wait3A_799] : memref<64x129xf32, #tpu.memory_space<vmem>> -> memref<8x128xf32, #tpu.memory_space<vmem>>
        tpu.wait_dma2 semaphore(%arg14 : memref<!tpu.dma_semaphore, #tpu.memory_space<semaphore_mem>>) src(%dma_wait3A_800 : memref<8x128xf32, #tpu.memory_space<vmem>>) dst(%dma_wait3A_797 : memref<8x128xf32, #tpu.memory_space<hbm>>)
        %dma_wait3A_801 = arith.constant 5 : i32
        %dma_wait3A_802 = arith.constant 40 : i32
        %dma_wait3A_803 = arith.constant 0 : i32
        %dma_wait3A_804 = tpu.memref_slice %arg10[%dma_wait3A_802, %dma_wait3A_803] : memref<64x129xf32, #tpu.memory_space<vmem>> -> memref<8x128xf32, #tpu.memory_space<vmem>>
        %dma_wait3A_805 = arith.constant 0 : i32
        %dma_wait3A_806 = arith.constant 0 : i32
        %dma_wait3A_807 = tpu.memref_slice %arg5[%sub3A_725, %dma_wait3A_801, %add3A, %dma_wait3A_805, %dma_wait3A_806] : memref<200x8x32x8x128xf32, #tpu.memory_space<hbm>> -> memref<1x1x1x8x128xf32, #tpu.memory_space<hbm>>
        %dma_wait3A_808 = tpu.memref_squeeze %dma_wait3A_807 : memref<1x1x1x8x128xf32, #tpu.memory_space<hbm>> -> memref<8x128xf32, #tpu.memory_space<hbm>>
        %dma_wait3A_809 = arith.constant 0 : i32
        %dma_wait3A_810 = arith.constant 0 : i32
        %dma_wait3A_811 = tpu.memref_slice %arg5[%sub3A_725, %dma_wait3A_801, %add3A, %dma_wait3A_809, %dma_wait3A_810] : memref<200x8x32x8x128xf32, #tpu.memory_space<hbm>> -> memref<1x1x1x8x128xf32, #tpu.memory_space<hbm>>
        %dma_wait3A_812 = tpu.memref_squeeze %dma_wait3A_811 : memref<1x1x1x8x128xf32, #tpu.memory_space<hbm>> -> memref<8x128xf32, #tpu.memory_space<hbm>>
        %dma_wait3A_813 = arith.constant 40 : i32
        %dma_wait3A_814 = arith.constant 0 : i32
        %dma_wait3A_815 = tpu.memref_slice %arg10[%dma_wait3A_813, %dma_wait3A_814] : memref<64x129xf32, #tpu.memory_space<vmem>> -> memref<8x128xf32, #tpu.memory_space<vmem>>
        tpu.wait_dma2 semaphore(%arg14 : memref<!tpu.dma_semaphore, #tpu.memory_space<semaphore_mem>>) src(%dma_wait3A_815 : memref<8x128xf32, #tpu.memory_space<vmem>>) dst(%dma_wait3A_812 : memref<8x128xf32, #tpu.memory_space<hbm>>)
        %dma_wait3A_816 = arith.constant 6 : i32
        %dma_wait3A_817 = arith.constant 48 : i32
        %dma_wait3A_818 = arith.constant 0 : i32
        %dma_wait3A_819 = tpu.memref_slice %arg10[%dma_wait3A_817, %dma_wait3A_818] : memref<64x129xf32, #tpu.memory_space<vmem>> -> memref<8x128xf32, #tpu.memory_space<vmem>>
        %dma_wait3A_820 = arith.constant 0 : i32
        %dma_wait3A_821 = arith.constant 0 : i32
        %dma_wait3A_822 = tpu.memref_slice %arg5[%sub3A_725, %dma_wait3A_816, %add3A, %dma_wait3A_820, %dma_wait3A_821] : memref<200x8x32x8x128xf32, #tpu.memory_space<hbm>> -> memref<1x1x1x8x128xf32, #tpu.memory_space<hbm>>
        %dma_wait3A_823 = tpu.memref_squeeze %dma_wait3A_822 : memref<1x1x1x8x128xf32, #tpu.memory_space<hbm>> -> memref<8x128xf32, #tpu.memory_space<hbm>>
        %dma_wait3A_824 = arith.constant 0 : i32
        %dma_wait3A_825 = arith.constant 0 : i32
        %dma_wait3A_826 = tpu.memref_slice %arg5[%sub3A_725, %dma_wait3A_816, %add3A, %dma_wait3A_824, %dma_wait3A_825] : memref<200x8x32x8x128xf32, #tpu.memory_space<hbm>> -> memref<1x1x1x8x128xf32, #tpu.memory_space<hbm>>
        %dma_wait3A_827 = tpu.memref_squeeze %dma_wait3A_826 : memref<1x1x1x8x128xf32, #tpu.memory_space<hbm>> -> memref<8x128xf32, #tpu.memory_space<hbm>>
        %dma_wait3A_828 = arith.constant 48 : i32
        %dma_wait3A_829 = arith.constant 0 : i32
        %dma_wait3A_830 = tpu.memref_slice %arg10[%dma_wait3A_828, %dma_wait3A_829] : memref<64x129xf32, #tpu.memory_space<vmem>> -> memref<8x128xf32, #tpu.memory_space<vmem>>
        tpu.wait_dma2 semaphore(%arg14 : memref<!tpu.dma_semaphore, #tpu.memory_space<semaphore_mem>>) src(%dma_wait3A_830 : memref<8x128xf32, #tpu.memory_space<vmem>>) dst(%dma_wait3A_827 : memref<8x128xf32, #tpu.memory_space<hbm>>)
        %dma_wait3A_831 = arith.constant 7 : i32
        %dma_wait3A_832 = arith.constant 56 : i32
        %dma_wait3A_833 = arith.constant 0 : i32
        %dma_wait3A_834 = tpu.memref_slice %arg10[%dma_wait3A_832, %dma_wait3A_833] : memref<64x129xf32, #tpu.memory_space<vmem>> -> memref<8x128xf32, #tpu.memory_space<vmem>>
        %dma_wait3A_835 = arith.constant 0 : i32
        %dma_wait3A_836 = arith.constant 0 : i32
        %dma_wait3A_837 = tpu.memref_slice %arg5[%sub3A_725, %dma_wait3A_831, %add3A, %dma_wait3A_835, %dma_wait3A_836] : memref<200x8x32x8x128xf32, #tpu.memory_space<hbm>> -> memref<1x1x1x8x128xf32, #tpu.memory_space<hbm>>
        %dma_wait3A_838 = tpu.memref_squeeze %dma_wait3A_837 : memref<1x1x1x8x128xf32, #tpu.memory_space<hbm>> -> memref<8x128xf32, #tpu.memory_space<hbm>>
        %dma_wait3A_839 = arith.constant 0 : i32
        %dma_wait3A_840 = arith.constant 0 : i32
        %dma_wait3A_841 = tpu.memref_slice %arg5[%sub3A_725, %dma_wait3A_831, %add3A, %dma_wait3A_839, %dma_wait3A_840] : memref<200x8x32x8x128xf32, #tpu.memory_space<hbm>> -> memref<1x1x1x8x128xf32, #tpu.memory_space<hbm>>
        %dma_wait3A_842 = tpu.memref_squeeze %dma_wait3A_841 : memref<1x1x1x8x128xf32, #tpu.memory_space<hbm>> -> memref<8x128xf32, #tpu.memory_space<hbm>>
        %dma_wait3A_843 = arith.constant 56 : i32
        %dma_wait3A_844 = arith.constant 0 : i32
        %dma_wait3A_845 = tpu.memref_slice %arg10[%dma_wait3A_843, %dma_wait3A_844] : memref<64x129xf32, #tpu.memory_space<vmem>> -> memref<8x128xf32, #tpu.memory_space<vmem>>
        tpu.wait_dma2 semaphore(%arg14 : memref<!tpu.dma_semaphore, #tpu.memory_space<semaphore_mem>>) src(%dma_wait3A_845 : memref<8x128xf32, #tpu.memory_space<vmem>>) dst(%dma_wait3A_842 : memref<8x128xf32, #tpu.memory_space<hbm>>)
      } else {
      }
      %mul3A_382 = arith.constant 64 : i32
      %mul3A_383 = arith.muli %mul3A_295, %mul3A_382 : i32
      %add3A_384 = arith.constant 0 : i32
      %add3A_385 = arith.addi %mul3A_383, %add3A_384 : i32
      %get3A = arith.index_cast %add3A_385 : i32 to index
      %get3A_386 = tpu.vector_load %arg7[%get3A] {strides = array<i32>} : memref<12800xf32, #tpu.memory_space<vmem>>, vector<16xf32>,
      %add3A_387 = arith.constant 16 : i32
      %add3A_388 = arith.addi %mul3A_383, %add3A_387 : i32
      %get3A_389 = arith.index_cast %add3A_388 : i32 to index
      %get3A_390 = tpu.vector_load %arg7[%get3A_389] {strides = array<i32>} : memref<12800xf32, #tpu.memory_space<vmem>>, vector<16xf32>,
      %add3A_391 = arith.constant 32 : i32
      %add3A_392 = arith.addi %mul3A_383, %add3A_391 : i32
      %get3A_393 = arith.index_cast %add3A_392 : i32 to index
      %get3A_394 = tpu.vector_load %arg7[%get3A_393] {strides = array<i32>} : memref<12800xf32, #tpu.memory_space<vmem>>, vector<16xf32>,
      %add3A_395 = arith.constant 48 : i32
      %add3A_396 = arith.addi %mul3A_383, %add3A_395 : i32
      %get3A_397 = arith.index_cast %add3A_396 : i32 to index
      %get3A_398 = tpu.vector_load %arg7[%get3A_397] {strides = array<i32>} : memref<12800xf32, #tpu.memory_space<vmem>>, vector<16xf32>,
      %parallel_loop3A = arith.constant 0 : i32
      %parallel_loop3A_399 = arith.constant 128 : i32
      %parallel_loop3A_400 = arith.constant 1 : i32
      scf.for %parallel_loop3A_724 = %parallel_loop3A to %parallel_loop3A_399 step %parallel_loop3A_400  : i32 {
        %parallel_loop3A_725 = vector.broadcast %parallel_loop3A_724 : i32 to vector<16xi32>
        %parallel_loop3A_726 = arith.addi %broadcast_in_dim3A_1, %parallel_loop3A_725 : vector<16xi32>
        %parallel_loop3A_727 = arith.index_cast %parallel_loop3A_724 : i32 to index
        %parallel_loop3A_728 = arith.constant 0 : index
        %parallel_loop3A_729 = tpu.vector_load %arg8[%parallel_loop3A_727, %parallel_loop3A_728] {strides = array<i32>} : memref<128x64xf32, #tpu.memory_space<vmem>>, vector<16xf32>,
        %parallel_loop3A_730 = arith.addf %parallel_loop3A_729, %get3A_386 : vector<16xf32>
        tpu.vector_store_idx %arg10[%add3A_4, %parallel_loop3A_726], %parallel_loop3A_730 : memref<64x129xf32, #tpu.memory_space<vmem>>[vector<16xi32>, vector<16xi32>], vector<16xf32>,
        %parallel_loop3A_731 = arith.index_cast %parallel_loop3A_724 : i32 to index
        %parallel_loop3A_732 = arith.constant 16 : index
        %parallel_loop3A_733 = tpu.vector_load %arg8[%parallel_loop3A_731, %parallel_loop3A_732] {strides = array<i32>} : memref<128x64xf32, #tpu.memory_space<vmem>>, vector<16xf32>,
        %parallel_loop3A_734 = arith.addf %parallel_loop3A_733, %get3A_390 : vector<16xf32>
        tpu.vector_store_idx %arg10[%add3A_7, %parallel_loop3A_726], %parallel_loop3A_734 : memref<64x129xf32, #tpu.memory_space<vmem>>[vector<16xi32>, vector<16xi32>], vector<16xf32>,
        %parallel_loop3A_735 = arith.index_cast %parallel_loop3A_724 : i32 to index
        %parallel_loop3A_736 = arith.constant 32 : index
        %parallel_loop3A_737 = tpu.vector_load %arg8[%parallel_loop3A_735, %parallel_loop3A_736] {strides = array<i32>} : memref<128x64xf32, #tpu.memory_space<vmem>>, vector<16xf32>,
        %parallel_loop3A_738 = arith.addf %parallel_loop3A_737, %get3A_394 : vector<16xf32>
        tpu.vector_store_idx %arg10[%add3A_10, %parallel_loop3A_726], %parallel_loop3A_738 : memref<64x129xf32, #tpu.memory_space<vmem>>[vector<16xi32>, vector<16xi32>], vector<16xf32>,
        %parallel_loop3A_739 = arith.index_cast %parallel_loop3A_724 : i32 to index
        %parallel_loop3A_740 = arith.constant 48 : index
        %parallel_loop3A_741 = tpu.vector_load %arg8[%parallel_loop3A_739, %parallel_loop3A_740] {strides = array<i32>} : memref<128x64xf32, #tpu.memory_space<vmem>>, vector<16xf32>,
        %parallel_loop3A_742 = arith.addf %parallel_loop3A_741, %get3A_398 : vector<16xf32>
        tpu.vector_store_idx %arg10[%add3A_13, %parallel_loop3A_726], %parallel_loop3A_742 : memref<64x129xf32, #tpu.memory_space<vmem>>[vector<16xi32>, vector<16xi32>], vector<16xf32>,
      } {sc.loop_unroll_factor = 2 : i64, sc.parallel_access}
      %dma_start3A_401 = arith.constant 0 : i32
      %dma_start3A_402 = arith.constant 0 : i32
      %dma_start3A_403 = arith.constant 0 : i32
      %dma_start3A_404 = tpu.memref_slice %arg10[%dma_start3A_402, %dma_start3A_403] : memref<64x129xf32, #tpu.memory_space<vmem>> -> memref<8x128xf32, #tpu.memory_space<vmem>>
      %dma_start3A_405 = arith.constant 0 : i32
      %dma_start3A_406 = arith.constant 0 : i32
      %dma_start3A_407 = tpu.memref_slice %arg5[%mul3A_295, %dma_start3A_401, %add3A, %dma_start3A_405, %dma_start3A_406] : memref<200x8x32x8x128xf32, #tpu.memory_space<hbm>> -> memref<1x1x1x8x128xf32, #tpu.memory_space<hbm>>
      %dma_start3A_408 = tpu.memref_squeeze %dma_start3A_407 : memref<1x1x1x8x128xf32, #tpu.memory_space<hbm>> -> memref<8x128xf32, #tpu.memory_space<hbm>>
      %dma_start3A_409 = arith.constant 0 : i32
      %dma_start3A_410 = arith.constant 0 : i32
      %dma_start3A_411 = tpu.memref_slice %arg5[%mul3A_295, %dma_start3A_401, %add3A, %dma_start3A_409, %dma_start3A_410] : memref<200x8x32x8x128xf32, #tpu.memory_space<hbm>> -> memref<1x1x1x8x128xf32, #tpu.memory_space<hbm>>
      %dma_start3A_412 = tpu.memref_squeeze %dma_start3A_411 : memref<1x1x1x8x128xf32, #tpu.memory_space<hbm>> -> memref<8x128xf32, #tpu.memory_space<hbm>>
      %dma_start3A_413 = arith.constant 0 : i32
      %dma_start3A_414 = arith.constant 0 : i32
      %dma_start3A_415 = tpu.memref_slice %arg10[%dma_start3A_413, %dma_start3A_414] : memref<64x129xf32, #tpu.memory_space<vmem>> -> memref<8x128xf32, #tpu.memory_space<vmem>>
      tpu.enqueue_dma source(%dma_start3A_415 : memref<8x128xf32, #tpu.memory_space<vmem>>) target(%dma_start3A_412 : memref<8x128xf32, #tpu.memory_space<hbm>>) target_semaphore(%arg14 : memref<!tpu.dma_semaphore, #tpu.memory_space<semaphore_mem>>)
      %dma_start3A_416 = arith.constant 1 : i32
      %dma_start3A_417 = arith.constant 8 : i32
      %dma_start3A_418 = arith.constant 0 : i32
      %dma_start3A_419 = tpu.memref_slice %arg10[%dma_start3A_417, %dma_start3A_418] : memref<64x129xf32, #tpu.memory_space<vmem>> -> memref<8x128xf32, #tpu.memory_space<vmem>>
      %dma_start3A_420 = arith.constant 0 : i32
      %dma_start3A_421 = arith.constant 0 : i32
      %dma_start3A_422 = tpu.memref_slice %arg5[%mul3A_295, %dma_start3A_416, %add3A, %dma_start3A_420, %dma_start3A_421] : memref<200x8x32x8x128xf32, #tpu.memory_space<hbm>> -> memref<1x1x1x8x128xf32, #tpu.memory_space<hbm>>
      %dma_start3A_423 = tpu.memref_squeeze %dma_start3A_422 : memref<1x1x1x8x128xf32, #tpu.memory_space<hbm>> -> memref<8x128xf32, #tpu.memory_space<hbm>>
      %dma_start3A_424 = arith.constant 0 : i32
      %dma_start3A_425 = arith.constant 0 : i32
      %dma_start3A_426 = tpu.memref_slice %arg5[%mul3A_295, %dma_start3A_416, %add3A, %dma_start3A_424, %dma_start3A_425] : memref<200x8x32x8x128xf32, #tpu.memory_space<hbm>> -> memref<1x1x1x8x128xf32, #tpu.memory_space<hbm>>
      %dma_start3A_427 = tpu.memref_squeeze %dma_start3A_426 : memref<1x1x1x8x128xf32, #tpu.memory_space<hbm>> -> memref<8x128xf32, #tpu.memory_space<hbm>>
      %dma_start3A_428 = arith.constant 8 : i32
      %dma_start3A_429 = arith.constant 0 : i32
      %dma_start3A_430 = tpu.memref_slice %arg10[%dma_start3A_428, %dma_start3A_429] : memref<64x129xf32, #tpu.memory_space<vmem>> -> memref<8x128xf32, #tpu.memory_space<vmem>>
      tpu.enqueue_dma source(%dma_start3A_430 : memref<8x128xf32, #tpu.memory_space<vmem>>) target(%dma_start3A_427 : memref<8x128xf32, #tpu.memory_space<hbm>>) target_semaphore(%arg14 : memref<!tpu.dma_semaphore, #tpu.memory_space<semaphore_mem>>)
      %dma_start3A_431 = arith.constant 2 : i32
      %dma_start3A_432 = arith.constant 16 : i32
      %dma_start3A_433 = arith.constant 0 : i32
      %dma_start3A_434 = tpu.memref_slice %arg10[%dma_start3A_432, %dma_start3A_433] : memref<64x129xf32, #tpu.memory_space<vmem>> -> memref<8x128xf32, #tpu.memory_space<vmem>>
      %dma_start3A_435 = arith.constant 0 : i32
      %dma_start3A_436 = arith.constant 0 : i32
      %dma_start3A_437 = tpu.memref_slice %arg5[%mul3A_295, %dma_start3A_431, %add3A, %dma_start3A_435, %dma_start3A_436] : memref<200x8x32x8x128xf32, #tpu.memory_space<hbm>> -> memref<1x1x1x8x128xf32, #tpu.memory_space<hbm>>
      %dma_start3A_438 = tpu.memref_squeeze %dma_start3A_437 : memref<1x1x1x8x128xf32, #tpu.memory_space<hbm>> -> memref<8x128xf32, #tpu.memory_space<hbm>>
      %dma_start3A_439 = arith.constant 0 : i32
      %dma_start3A_440 = arith.constant 0 : i32
      %dma_start3A_441 = tpu.memref_slice %arg5[%mul3A_295, %dma_start3A_431, %add3A, %dma_start3A_439, %dma_start3A_440] : memref<200x8x32x8x128xf32, #tpu.memory_space<hbm>> -> memref<1x1x1x8x128xf32, #tpu.memory_space<hbm>>
      %dma_start3A_442 = tpu.memref_squeeze %dma_start3A_441 : memref<1x1x1x8x128xf32, #tpu.memory_space<hbm>> -> memref<8x128xf32, #tpu.memory_space<hbm>>
      %dma_start3A_443 = arith.constant 16 : i32
      %dma_start3A_444 = arith.constant 0 : i32
      %dma_start3A_445 = tpu.memref_slice %arg10[%dma_start3A_443, %dma_start3A_444] : memref<64x129xf32, #tpu.memory_space<vmem>> -> memref<8x128xf32, #tpu.memory_space<vmem>>
      tpu.enqueue_dma source(%dma_start3A_445 : memref<8x128xf32, #tpu.memory_space<vmem>>) target(%dma_start3A_442 : memref<8x128xf32, #tpu.memory_space<hbm>>) target_semaphore(%arg14 : memref<!tpu.dma_semaphore, #tpu.memory_space<semaphore_mem>>)
      %dma_start3A_446 = arith.constant 3 : i32
      %dma_start3A_447 = arith.constant 24 : i32
      %dma_start3A_448 = arith.constant 0 : i32
      %dma_start3A_449 = tpu.memref_slice %arg10[%dma_start3A_447, %dma_start3A_448] : memref<64x129xf32, #tpu.memory_space<vmem>> -> memref<8x128xf32, #tpu.memory_space<vmem>>
      %dma_start3A_450 = arith.constant 0 : i32
      %dma_start3A_451 = arith.constant 0 : i32
      %dma_start3A_452 = tpu.memref_slice %arg5[%mul3A_295, %dma_start3A_446, %add3A, %dma_start3A_450, %dma_start3A_451] : memref<200x8x32x8x128xf32, #tpu.memory_space<hbm>> -> memref<1x1x1x8x128xf32, #tpu.memory_space<hbm>>
      %dma_start3A_453 = tpu.memref_squeeze %dma_start3A_452 : memref<1x1x1x8x128xf32, #tpu.memory_space<hbm>> -> memref<8x128xf32, #tpu.memory_space<hbm>>
      %dma_start3A_454 = arith.constant 0 : i32
      %dma_start3A_455 = arith.constant 0 : i32
      %dma_start3A_456 = tpu.memref_slice %arg5[%mul3A_295, %dma_start3A_446, %add3A, %dma_start3A_454, %dma_start3A_455] : memref<200x8x32x8x128xf32, #tpu.memory_space<hbm>> -> memref<1x1x1x8x128xf32, #tpu.memory_space<hbm>>
      %dma_start3A_457 = tpu.memref_squeeze %dma_start3A_456 : memref<1x1x1x8x128xf32, #tpu.memory_space<hbm>> -> memref<8x128xf32, #tpu.memory_space<hbm>>
      %dma_start3A_458 = arith.constant 24 : i32
      %dma_start3A_459 = arith.constant 0 : i32
      %dma_start3A_460 = tpu.memref_slice %arg10[%dma_start3A_458, %dma_start3A_459] : memref<64x129xf32, #tpu.memory_space<vmem>> -> memref<8x128xf32, #tpu.memory_space<vmem>>
      tpu.enqueue_dma source(%dma_start3A_460 : memref<8x128xf32, #tpu.memory_space<vmem>>) target(%dma_start3A_457 : memref<8x128xf32, #tpu.memory_space<hbm>>) target_semaphore(%arg14 : memref<!tpu.dma_semaphore, #tpu.memory_space<semaphore_mem>>)
      %dma_start3A_461 = arith.constant 4 : i32
      %dma_start3A_462 = arith.constant 32 : i32
      %dma_start3A_463 = arith.constant 0 : i32
      %dma_start3A_464 = tpu.memref_slice %arg10[%dma_start3A_462, %dma_start3A_463] : memref<64x129xf32, #tpu.memory_space<vmem>> -> memref<8x128xf32, #tpu.memory_space<vmem>>
      %dma_start3A_465 = arith.constant 0 : i32
      %dma_start3A_466 = arith.constant 0 : i32
      %dma_start3A_467 = tpu.memref_slice %arg5[%mul3A_295, %dma_start3A_461, %add3A, %dma_start3A_465, %dma_start3A_466] : memref<200x8x32x8x128xf32, #tpu.memory_space<hbm>> -> memref<1x1x1x8x128xf32, #tpu.memory_space<hbm>>
      %dma_start3A_468 = tpu.memref_squeeze %dma_start3A_467 : memref<1x1x1x8x128xf32, #tpu.memory_space<hbm>> -> memref<8x128xf32, #tpu.memory_space<hbm>>
      %dma_start3A_469 = arith.constant 0 : i32
      %dma_start3A_470 = arith.constant 0 : i32
      %dma_start3A_471 = tpu.memref_slice %arg5[%mul3A_295, %dma_start3A_461, %add3A, %dma_start3A_469, %dma_start3A_470] : memref<200x8x32x8x128xf32, #tpu.memory_space<hbm>> -> memref<1x1x1x8x128xf32, #tpu.memory_space<hbm>>
      %dma_start3A_472 = tpu.memref_squeeze %dma_start3A_471 : memref<1x1x1x8x128xf32, #tpu.memory_space<hbm>> -> memref<8x128xf32, #tpu.memory_space<hbm>>
      %dma_start3A_473 = arith.constant 32 : i32
      %dma_start3A_474 = arith.constant 0 : i32
      %dma_start3A_475 = tpu.memref_slice %arg10[%dma_start3A_473, %dma_start3A_474] : memref<64x129xf32, #tpu.memory_space<vmem>> -> memref<8x128xf32, #tpu.memory_space<vmem>>
      tpu.enqueue_dma source(%dma_start3A_475 : memref<8x128xf32, #tpu.memory_space<vmem>>) target(%dma_start3A_472 : memref<8x128xf32, #tpu.memory_space<hbm>>) target_semaphore(%arg14 : memref<!tpu.dma_semaphore, #tpu.memory_space<semaphore_mem>>)
      %dma_start3A_476 = arith.constant 5 : i32
      %dma_start3A_477 = arith.constant 40 : i32
      %dma_start3A_478 = arith.constant 0 : i32
      %dma_start3A_479 = tpu.memref_slice %arg10[%dma_start3A_477, %dma_start3A_478] : memref<64x129xf32, #tpu.memory_space<vmem>> -> memref<8x128xf32, #tpu.memory_space<vmem>>
      %dma_start3A_480 = arith.constant 0 : i32
      %dma_start3A_481 = arith.constant 0 : i32
      %dma_start3A_482 = tpu.memref_slice %arg5[%mul3A_295, %dma_start3A_476, %add3A, %dma_start3A_480, %dma_start3A_481] : memref<200x8x32x8x128xf32, #tpu.memory_space<hbm>> -> memref<1x1x1x8x128xf32, #tpu.memory_space<hbm>>
      %dma_start3A_483 = tpu.memref_squeeze %dma_start3A_482 : memref<1x1x1x8x128xf32, #tpu.memory_space<hbm>> -> memref<8x128xf32, #tpu.memory_space<hbm>>
      %dma_start3A_484 = arith.constant 0 : i32
      %dma_start3A_485 = arith.constant 0 : i32
      %dma_start3A_486 = tpu.memref_slice %arg5[%mul3A_295, %dma_start3A_476, %add3A, %dma_start3A_484, %dma_start3A_485] : memref<200x8x32x8x128xf32, #tpu.memory_space<hbm>> -> memref<1x1x1x8x128xf32, #tpu.memory_space<hbm>>
      %dma_start3A_487 = tpu.memref_squeeze %dma_start3A_486 : memref<1x1x1x8x128xf32, #tpu.memory_space<hbm>> -> memref<8x128xf32, #tpu.memory_space<hbm>>
      %dma_start3A_488 = arith.constant 40 : i32
      %dma_start3A_489 = arith.constant 0 : i32
      %dma_start3A_490 = tpu.memref_slice %arg10[%dma_start3A_488, %dma_start3A_489] : memref<64x129xf32, #tpu.memory_space<vmem>> -> memref<8x128xf32, #tpu.memory_space<vmem>>
      tpu.enqueue_dma source(%dma_start3A_490 : memref<8x128xf32, #tpu.memory_space<vmem>>) target(%dma_start3A_487 : memref<8x128xf32, #tpu.memory_space<hbm>>) target_semaphore(%arg14 : memref<!tpu.dma_semaphore, #tpu.memory_space<semaphore_mem>>)
      %dma_start3A_491 = arith.constant 6 : i32
      %dma_start3A_492 = arith.constant 48 : i32
      %dma_start3A_493 = arith.constant 0 : i32
      %dma_start3A_494 = tpu.memref_slice %arg10[%dma_start3A_492, %dma_start3A_493] : memref<64x129xf32, #tpu.memory_space<vmem>> -> memref<8x128xf32, #tpu.memory_space<vmem>>
      %dma_start3A_495 = arith.constant 0 : i32
      %dma_start3A_496 = arith.constant 0 : i32
      %dma_start3A_497 = tpu.memref_slice %arg5[%mul3A_295, %dma_start3A_491, %add3A, %dma_start3A_495, %dma_start3A_496] : memref<200x8x32x8x128xf32, #tpu.memory_space<hbm>> -> memref<1x1x1x8x128xf32, #tpu.memory_space<hbm>>
      %dma_start3A_498 = tpu.memref_squeeze %dma_start3A_497 : memref<1x1x1x8x128xf32, #tpu.memory_space<hbm>> -> memref<8x128xf32, #tpu.memory_space<hbm>>
      %dma_start3A_499 = arith.constant 0 : i32
      %dma_start3A_500 = arith.constant 0 : i32
      %dma_start3A_501 = tpu.memref_slice %arg5[%mul3A_295, %dma_start3A_491, %add3A, %dma_start3A_499, %dma_start3A_500] : memref<200x8x32x8x128xf32, #tpu.memory_space<hbm>> -> memref<1x1x1x8x128xf32, #tpu.memory_space<hbm>>
      %dma_start3A_502 = tpu.memref_squeeze %dma_start3A_501 : memref<1x1x1x8x128xf32, #tpu.memory_space<hbm>> -> memref<8x128xf32, #tpu.memory_space<hbm>>
      %dma_start3A_503 = arith.constant 48 : i32
      %dma_start3A_504 = arith.constant 0 : i32
      %dma_start3A_505 = tpu.memref_slice %arg10[%dma_start3A_503, %dma_start3A_504] : memref<64x129xf32, #tpu.memory_space<vmem>> -> memref<8x128xf32, #tpu.memory_space<vmem>>
      tpu.enqueue_dma source(%dma_start3A_505 : memref<8x128xf32, #tpu.memory_space<vmem>>) target(%dma_start3A_502 : memref<8x128xf32, #tpu.memory_space<hbm>>) target_semaphore(%arg14 : memref<!tpu.dma_semaphore, #tpu.memory_space<semaphore_mem>>)
      %dma_start3A_506 = arith.constant 7 : i32
      %dma_start3A_507 = arith.constant 56 : i32
      %dma_start3A_508 = arith.constant 0 : i32
      %dma_start3A_509 = tpu.memref_slice %arg10[%dma_start3A_507, %dma_start3A_508] : memref<64x129xf32, #tpu.memory_space<vmem>> -> memref<8x128xf32, #tpu.memory_space<vmem>>
      %dma_start3A_510 = arith.constant 0 : i32
      %dma_start3A_511 = arith.constant 0 : i32
      %dma_start3A_512 = tpu.memref_slice %arg5[%mul3A_295, %dma_start3A_506, %add3A, %dma_start3A_510, %dma_start3A_511] : memref<200x8x32x8x128xf32, #tpu.memory_space<hbm>> -> memref<1x1x1x8x128xf32, #tpu.memory_space<hbm>>
      %dma_start3A_513 = tpu.memref_squeeze %dma_start3A_512 : memref<1x1x1x8x128xf32, #tpu.memory_space<hbm>> -> memref<8x128xf32, #tpu.memory_space<hbm>>
      %dma_start3A_514 = arith.constant 0 : i32
      %dma_start3A_515 = arith.constant 0 : i32
      %dma_start3A_516 = tpu.memref_slice %arg5[%mul3A_295, %dma_start3A_506, %add3A, %dma_start3A_514, %dma_start3A_515] : memref<200x8x32x8x128xf32, #tpu.memory_space<hbm>> -> memref<1x1x1x8x128xf32, #tpu.memory_space<hbm>>
      %dma_start3A_517 = tpu.memref_squeeze %dma_start3A_516 : memref<1x1x1x8x128xf32, #tpu.memory_space<hbm>> -> memref<8x128xf32, #tpu.memory_space<hbm>>
      %dma_start3A_518 = arith.constant 56 : i32
      %dma_start3A_519 = arith.constant 0 : i32
      %dma_start3A_520 = tpu.memref_slice %arg10[%dma_start3A_518, %dma_start3A_519] : memref<64x129xf32, #tpu.memory_space<vmem>> -> memref<8x128xf32, #tpu.memory_space<vmem>>
      tpu.enqueue_dma source(%dma_start3A_520 : memref<8x128xf32, #tpu.memory_space<vmem>>) target(%dma_start3A_517 : memref<8x128xf32, #tpu.memory_space<hbm>>) target_semaphore(%arg14 : memref<!tpu.dma_semaphore, #tpu.memory_space<semaphore_mem>>)
      %lt3A_521 = arith.constant 99 : i32
      %lt3A_522 = arith.cmpi slt, %scan3A_293, %lt3A_521 : i32
      %convert_element_type3A_523 = arith.extui %lt3A_522 : i1 to i32
      %cond3A_524 = arith.constant 0 : i32
      %cond3A_525 = arith.cmpi ne, %convert_element_type3A_523, %cond3A_524 : i32
      scf.if %cond3A_525 {
        %add3A_724 = arith.constant 2 : i32
        %add3A_725 = arith.addi %mul3A_295, %add3A_724 : i32
        %jit3A_726 = arith.constant 8 : i32
        %div3A_727 = arith.divsi %add3A_725, %jit3A_726 : i32
        %sign3A_728 = arith.constant 0 : i32
        %sign3A_729 = arith.cmpi sgt, %add3A_725, %sign3A_728 : i32
        %sign3A_730 = arith.extui %sign3A_729 : i1 to i32
        %sign3A_731 = arith.constant 0 : i32
        %sign3A_732 = arith.cmpi slt, %add3A_725, %sign3A_731 : i32
        %sign3A_733 = arith.extui %sign3A_732 : i1 to i32
        %sign3A_734 = arith.subi %sign3A_730, %sign3A_733 : i32
        %sign3A_735 = arith.constant 0 : i32
        %sign3A_736 = arith.cmpi sgt, %jit3A_726, %sign3A_735 : i32
        %sign3A_737 = arith.extui %sign3A_736 : i1 to i32
        %sign3A_738 = arith.constant 0 : i32
        %sign3A_739 = arith.cmpi slt, %jit3A_726, %sign3A_738 : i32
        %sign3A_740 = arith.extui %sign3A_739 : i1 to i32
        %sign3A_741 = arith.subi %sign3A_737, %sign3A_740 : i32
        %ne3A_742 = arith.cmpi ne, %sign3A_734, %sign3A_741 : i32
        %rem3A_743 = arith.remsi %add3A_725, %jit3A_726 : i32
        %ne3A_744 = arith.constant 0 : i32
        %ne3A_745 = arith.cmpi ne, %rem3A_743, %ne3A_744 : i32
        %and3A_746 = arith.andi %ne3A_742, %ne3A_745 : i1
        %sub3A_747 = arith.constant 1 : i32
        %sub3A_748 = arith.subi %div3A_727, %sub3A_747 : i32
        %select_n3A_749 = arith.select %and3A_746, %sub3A_748, %div3A_727 : i32
        %jit3A_750 = arith.constant 8 : i32
        %eq3A_751 = arith.constant 0 : i32
        %eq3A_752 = arith.cmpi eq, %jit3A_750, %eq3A_751 : i32
        %jit3A_753 = arith.constant 1 : i32
        %select_n3A_754 = arith.select %eq3A_752, %jit3A_753, %jit3A_750 : i32
        %rem3A_755 = arith.remsi %add3A_725, %select_n3A_754 : i32
        %ne3A_756 = arith.constant 0 : i32
        %ne3A_757 = arith.cmpi ne, %rem3A_755, %ne3A_756 : i32
        %lt3A_758 = arith.constant 0 : i32
        %lt3A_759 = arith.cmpi slt, %rem3A_755, %lt3A_758 : i32
        %lt3A_760 = arith.constant 0 : i32
        %lt3A_761 = arith.cmpi slt, %select_n3A_754, %lt3A_760 : i32
        %ne3A_762 = arith.xori %lt3A_759, %lt3A_761 : i1
        %and3A_763 = arith.andi %ne3A_762, %ne3A_757 : i1
        %add3A_764 = arith.addi %rem3A_755, %select_n3A_754 : i32
        %select_n3A_765 = arith.select %and3A_763, %add3A_764, %rem3A_755 : i32
        %dma_start3A_766 = arith.constant 0 : i32
        %dma_start3A_767 = tpu.memref_slice %arg6[%select_n3A_749, %select_n3A_765, %dma_start3A_766] : memref<25x8x128xi32, #tpu.memory_space<vmem>> -> memref<1x1x128xi32, #tpu.memory_space<vmem>>
        %dma_start3A_768 = tpu.memref_squeeze %dma_start3A_767 : memref<1x1x128xi32, #tpu.memory_space<vmem>> -> memref<128xi32, #tpu.memory_space<vmem>>
        %dma_start3A_769 = arith.constant 0 : i32
        %dma_start3A_770 = arith.constant 0 : i32
        %dma_start3A_771 = tpu.memref_slice %arg3[%dma_start3A_769, %dma_start3A_770] : memref<1000000x64xf32, #tpu.memory_space<hbm>> -> memref<1000000x64xf32, #tpu.memory_space<hbm>>
        tpu.enqueue_indirect_dma source(%dma_start3A_771 : memref<1000000x64xf32, #tpu.memory_space<hbm>>) target(%arg8 : memref<128x64xf32, #tpu.memory_space<vmem>>) offsets(%dma_start3A_768 : memref<128xi32, #tpu.memory_space<vmem>>) semaphore(%arg12 : memref<!tpu.dma_semaphore, #tpu.memory_space<semaphore_mem>>)
      } else {
      }
      %add3A_526 = arith.constant 1 : i32
      %add3A_527 = arith.addi %mul3A_295, %add3A_526 : i32
      %jit3A_528 = arith.constant 8 : i32
      %div3A_529 = arith.divsi %add3A_527, %jit3A_528 : i32
      %sign3A_530 = arith.constant 0 : i32
      %sign3A_531 = arith.cmpi sgt, %add3A_527, %sign3A_530 : i32
      %sign3A_532 = arith.extui %sign3A_531 : i1 to i32
      %sign3A_533 = arith.constant 0 : i32
      %sign3A_534 = arith.cmpi slt, %add3A_527, %sign3A_533 : i32
      %sign3A_535 = arith.extui %sign3A_534 : i1 to i32
      %sign3A_536 = arith.subi %sign3A_532, %sign3A_535 : i32
      %sign3A_537 = arith.constant 0 : i32
      %sign3A_538 = arith.cmpi sgt, %jit3A_528, %sign3A_537 : i32
      %sign3A_539 = arith.extui %sign3A_538 : i1 to i32
      %sign3A_540 = arith.constant 0 : i32
      %sign3A_541 = arith.cmpi slt, %jit3A_528, %sign3A_540 : i32
      %sign3A_542 = arith.extui %sign3A_541 : i1 to i32
      %sign3A_543 = arith.subi %sign3A_539, %sign3A_542 : i32
      %ne3A_544 = arith.cmpi ne, %sign3A_536, %sign3A_543 : i32
      %rem3A_545 = arith.remsi %add3A_527, %jit3A_528 : i32
      %ne3A_546 = arith.constant 0 : i32
      %ne3A_547 = arith.cmpi ne, %rem3A_545, %ne3A_546 : i32
      %and3A_548 = arith.andi %ne3A_544, %ne3A_547 : i1
      %sub3A_549 = arith.constant 1 : i32
      %sub3A_550 = arith.subi %div3A_529, %sub3A_549 : i32
      %select_n3A_551 = arith.select %and3A_548, %sub3A_550, %div3A_529 : i32
      %jit3A_552 = arith.constant 8 : i32
      %eq3A_553 = arith.constant 0 : i32
      %eq3A_554 = arith.cmpi eq, %jit3A_552, %eq3A_553 : i32
      %jit3A_555 = arith.constant 1 : i32
      %select_n3A_556 = arith.select %eq3A_554, %jit3A_555, %jit3A_552 : i32
      %rem3A_557 = arith.remsi %add3A_527, %select_n3A_556 : i32
      %ne3A_558 = arith.constant 0 : i32
      %ne3A_559 = arith.cmpi ne, %rem3A_557, %ne3A_558 : i32
      %lt3A_560 = arith.constant 0 : i32
      %lt3A_561 = arith.cmpi slt, %rem3A_557, %lt3A_560 : i32
      %lt3A_562 = arith.constant 0 : i32
      %lt3A_563 = arith.cmpi slt, %select_n3A_556, %lt3A_562 : i32
      %ne3A_564 = arith.xori %lt3A_561, %lt3A_563 : i1
      %and3A_565 = arith.andi %ne3A_564, %ne3A_559 : i1
      %add3A_566 = arith.addi %rem3A_557, %select_n3A_556 : i32
      %select_n3A_567 = arith.select %and3A_565, %add3A_566, %rem3A_557 : i32
      %dma_wait3A_568 = arith.constant 0 : i32
      %dma_wait3A_569 = tpu.memref_slice %arg6[%select_n3A_551, %select_n3A_567, %dma_wait3A_568] : memref<25x8x128xi32, #tpu.memory_space<vmem>> -> memref<1x1x128xi32, #tpu.memory_space<vmem>>
      %dma_wait3A_570 = tpu.memref_squeeze %dma_wait3A_569 : memref<1x1x128xi32, #tpu.memory_space<vmem>> -> memref<128xi32, #tpu.memory_space<vmem>>
      %dma_wait3A_571 = arith.constant 0 : i32
      %dma_wait3A_572 = arith.constant 0 : i32
      %dma_wait3A_573 = tpu.memref_slice %arg3[%dma_wait3A_571, %dma_wait3A_572] : memref<1000000x64xf32, #tpu.memory_space<hbm>> -> memref<1000000x64xf32, #tpu.memory_space<hbm>>
      tpu.wait_indirect_dma semaphore(%arg13 : memref<!tpu.dma_semaphore, #tpu.memory_space<semaphore_mem>>) src(%dma_wait3A_573 : memref<1000000x64xf32, #tpu.memory_space<hbm>>) dst(%arg9 : memref<128x64xf32, #tpu.memory_space<vmem>>)
      %ge3A_574 = arith.constant 1 : i32
      %ge3A_575 = arith.cmpi sge, %scan3A_293, %ge3A_574 : i32
      %convert_element_type3A_576 = arith.extui %ge3A_575 : i1 to i32
      %cond3A_577 = arith.constant 0 : i32
      %cond3A_578 = arith.cmpi ne, %convert_element_type3A_576, %cond3A_577 : i32
      scf.if %cond3A_578 {
        %sub3A_724 = arith.constant 1 : i32
        %sub3A_725 = arith.subi %mul3A_295, %sub3A_724 : i32
        %dma_wait3A_726 = arith.constant 0 : i32
        %dma_wait3A_727 = arith.constant 0 : i32
        %dma_wait3A_728 = arith.constant 0 : i32
        %dma_wait3A_729 = tpu.memref_slice %arg11[%dma_wait3A_727, %dma_wait3A_728] : memref<64x129xf32, #tpu.memory_space<vmem>> -> memref<8x128xf32, #tpu.memory_space<vmem>>
        %dma_wait3A_730 = arith.constant 0 : i32
        %dma_wait3A_731 = arith.constant 0 : i32
        %dma_wait3A_732 = tpu.memref_slice %arg5[%sub3A_725, %dma_wait3A_726, %add3A, %dma_wait3A_730, %dma_wait3A_731] : memref<200x8x32x8x128xf32, #tpu.memory_space<hbm>> -> memref<1x1x1x8x128xf32, #tpu.memory_space<hbm>>
        %dma_wait3A_733 = tpu.memref_squeeze %dma_wait3A_732 : memref<1x1x1x8x128xf32, #tpu.memory_space<hbm>> -> memref<8x128xf32, #tpu.memory_space<hbm>>
        %dma_wait3A_734 = arith.constant 0 : i32
        %dma_wait3A_735 = arith.constant 0 : i32
        %dma_wait3A_736 = tpu.memref_slice %arg5[%sub3A_725, %dma_wait3A_726, %add3A, %dma_wait3A_734, %dma_wait3A_735] : memref<200x8x32x8x128xf32, #tpu.memory_space<hbm>> -> memref<1x1x1x8x128xf32, #tpu.memory_space<hbm>>
        %dma_wait3A_737 = tpu.memref_squeeze %dma_wait3A_736 : memref<1x1x1x8x128xf32, #tpu.memory_space<hbm>> -> memref<8x128xf32, #tpu.memory_space<hbm>>
        %dma_wait3A_738 = arith.constant 0 : i32
        %dma_wait3A_739 = arith.constant 0 : i32
        %dma_wait3A_740 = tpu.memref_slice %arg11[%dma_wait3A_738, %dma_wait3A_739] : memref<64x129xf32, #tpu.memory_space<vmem>> -> memref<8x128xf32, #tpu.memory_space<vmem>>
        tpu.wait_dma2 semaphore(%arg15 : memref<!tpu.dma_semaphore, #tpu.memory_space<semaphore_mem>>) src(%dma_wait3A_740 : memref<8x128xf32, #tpu.memory_space<vmem>>) dst(%dma_wait3A_737 : memref<8x128xf32, #tpu.memory_space<hbm>>)
        %dma_wait3A_741 = arith.constant 1 : i32
        %dma_wait3A_742 = arith.constant 8 : i32
        %dma_wait3A_743 = arith.constant 0 : i32
        %dma_wait3A_744 = tpu.memref_slice %arg11[%dma_wait3A_742, %dma_wait3A_743] : memref<64x129xf32, #tpu.memory_space<vmem>> -> memref<8x128xf32, #tpu.memory_space<vmem>>
        %dma_wait3A_745 = arith.constant 0 : i32
        %dma_wait3A_746 = arith.constant 0 : i32
        %dma_wait3A_747 = tpu.memref_slice %arg5[%sub3A_725, %dma_wait3A_741, %add3A, %dma_wait3A_745, %dma_wait3A_746] : memref<200x8x32x8x128xf32, #tpu.memory_space<hbm>> -> memref<1x1x1x8x128xf32, #tpu.memory_space<hbm>>
        %dma_wait3A_748 = tpu.memref_squeeze %dma_wait3A_747 : memref<1x1x1x8x128xf32, #tpu.memory_space<hbm>> -> memref<8x128xf32, #tpu.memory_space<hbm>>
        %dma_wait3A_749 = arith.constant 0 : i32
        %dma_wait3A_750 = arith.constant 0 : i32
        %dma_wait3A_751 = tpu.memref_slice %arg5[%sub3A_725, %dma_wait3A_741, %add3A, %dma_wait3A_749, %dma_wait3A_750] : memref<200x8x32x8x128xf32, #tpu.memory_space<hbm>> -> memref<1x1x1x8x128xf32, #tpu.memory_space<hbm>>
        %dma_wait3A_752 = tpu.memref_squeeze %dma_wait3A_751 : memref<1x1x1x8x128xf32, #tpu.memory_space<hbm>> -> memref<8x128xf32, #tpu.memory_space<hbm>>
        %dma_wait3A_753 = arith.constant 8 : i32
        %dma_wait3A_754 = arith.constant 0 : i32
        %dma_wait3A_755 = tpu.memref_slice %arg11[%dma_wait3A_753, %dma_wait3A_754] : memref<64x129xf32, #tpu.memory_space<vmem>> -> memref<8x128xf32, #tpu.memory_space<vmem>>
        tpu.wait_dma2 semaphore(%arg15 : memref<!tpu.dma_semaphore, #tpu.memory_space<semaphore_mem>>) src(%dma_wait3A_755 : memref<8x128xf32, #tpu.memory_space<vmem>>) dst(%dma_wait3A_752 : memref<8x128xf32, #tpu.memory_space<hbm>>)
        %dma_wait3A_756 = arith.constant 2 : i32
        %dma_wait3A_757 = arith.constant 16 : i32
        %dma_wait3A_758 = arith.constant 0 : i32
        %dma_wait3A_759 = tpu.memref_slice %arg11[%dma_wait3A_757, %dma_wait3A_758] : memref<64x129xf32, #tpu.memory_space<vmem>> -> memref<8x128xf32, #tpu.memory_space<vmem>>
        %dma_wait3A_760 = arith.constant 0 : i32
        %dma_wait3A_761 = arith.constant 0 : i32
        %dma_wait3A_762 = tpu.memref_slice %arg5[%sub3A_725, %dma_wait3A_756, %add3A, %dma_wait3A_760, %dma_wait3A_761] : memref<200x8x32x8x128xf32, #tpu.memory_space<hbm>> -> memref<1x1x1x8x128xf32, #tpu.memory_space<hbm>>
        %dma_wait3A_763 = tpu.memref_squeeze %dma_wait3A_762 : memref<1x1x1x8x128xf32, #tpu.memory_space<hbm>> -> memref<8x128xf32, #tpu.memory_space<hbm>>
        %dma_wait3A_764 = arith.constant 0 : i32
        %dma_wait3A_765 = arith.constant 0 : i32
        %dma_wait3A_766 = tpu.memref_slice %arg5[%sub3A_725, %dma_wait3A_756, %add3A, %dma_wait3A_764, %dma_wait3A_765] : memref<200x8x32x8x128xf32, #tpu.memory_space<hbm>> -> memref<1x1x1x8x128xf32, #tpu.memory_space<hbm>>
        %dma_wait3A_767 = tpu.memref_squeeze %dma_wait3A_766 : memref<1x1x1x8x128xf32, #tpu.memory_space<hbm>> -> memref<8x128xf32, #tpu.memory_space<hbm>>
        %dma_wait3A_768 = arith.constant 16 : i32
        %dma_wait3A_769 = arith.constant 0 : i32
        %dma_wait3A_770 = tpu.memref_slice %arg11[%dma_wait3A_768, %dma_wait3A_769] : memref<64x129xf32, #tpu.memory_space<vmem>> -> memref<8x128xf32, #tpu.memory_space<vmem>>
        tpu.wait_dma2 semaphore(%arg15 : memref<!tpu.dma_semaphore, #tpu.memory_space<semaphore_mem>>) src(%dma_wait3A_770 : memref<8x128xf32, #tpu.memory_space<vmem>>) dst(%dma_wait3A_767 : memref<8x128xf32, #tpu.memory_space<hbm>>)
        %dma_wait3A_771 = arith.constant 3 : i32
        %dma_wait3A_772 = arith.constant 24 : i32
        %dma_wait3A_773 = arith.constant 0 : i32
        %dma_wait3A_774 = tpu.memref_slice %arg11[%dma_wait3A_772, %dma_wait3A_773] : memref<64x129xf32, #tpu.memory_space<vmem>> -> memref<8x128xf32, #tpu.memory_space<vmem>>
        %dma_wait3A_775 = arith.constant 0 : i32
        %dma_wait3A_776 = arith.constant 0 : i32
        %dma_wait3A_777 = tpu.memref_slice %arg5[%sub3A_725, %dma_wait3A_771, %add3A, %dma_wait3A_775, %dma_wait3A_776] : memref<200x8x32x8x128xf32, #tpu.memory_space<hbm>> -> memref<1x1x1x8x128xf32, #tpu.memory_space<hbm>>
        %dma_wait3A_778 = tpu.memref_squeeze %dma_wait3A_777 : memref<1x1x1x8x128xf32, #tpu.memory_space<hbm>> -> memref<8x128xf32, #tpu.memory_space<hbm>>
        %dma_wait3A_779 = arith.constant 0 : i32
        %dma_wait3A_780 = arith.constant 0 : i32
        %dma_wait3A_781 = tpu.memref_slice %arg5[%sub3A_725, %dma_wait3A_771, %add3A, %dma_wait3A_779, %dma_wait3A_780] : memref<200x8x32x8x128xf32, #tpu.memory_space<hbm>> -> memref<1x1x1x8x128xf32, #tpu.memory_space<hbm>>
        %dma_wait3A_782 = tpu.memref_squeeze %dma_wait3A_781 : memref<1x1x1x8x128xf32, #tpu.memory_space<hbm>> -> memref<8x128xf32, #tpu.memory_space<hbm>>
        %dma_wait3A_783 = arith.constant 24 : i32
        %dma_wait3A_784 = arith.constant 0 : i32
        %dma_wait3A_785 = tpu.memref_slice %arg11[%dma_wait3A_783, %dma_wait3A_784] : memref<64x129xf32, #tpu.memory_space<vmem>> -> memref<8x128xf32, #tpu.memory_space<vmem>>
        tpu.wait_dma2 semaphore(%arg15 : memref<!tpu.dma_semaphore, #tpu.memory_space<semaphore_mem>>) src(%dma_wait3A_785 : memref<8x128xf32, #tpu.memory_space<vmem>>) dst(%dma_wait3A_782 : memref<8x128xf32, #tpu.memory_space<hbm>>)
        %dma_wait3A_786 = arith.constant 4 : i32
        %dma_wait3A_787 = arith.constant 32 : i32
        %dma_wait3A_788 = arith.constant 0 : i32
        %dma_wait3A_789 = tpu.memref_slice %arg11[%dma_wait3A_787, %dma_wait3A_788] : memref<64x129xf32, #tpu.memory_space<vmem>> -> memref<8x128xf32, #tpu.memory_space<vmem>>
        %dma_wait3A_790 = arith.constant 0 : i32
        %dma_wait3A_791 = arith.constant 0 : i32
        %dma_wait3A_792 = tpu.memref_slice %arg5[%sub3A_725, %dma_wait3A_786, %add3A, %dma_wait3A_790, %dma_wait3A_791] : memref<200x8x32x8x128xf32, #tpu.memory_space<hbm>> -> memref<1x1x1x8x128xf32, #tpu.memory_space<hbm>>
        %dma_wait3A_793 = tpu.memref_squeeze %dma_wait3A_792 : memref<1x1x1x8x128xf32, #tpu.memory_space<hbm>> -> memref<8x128xf32, #tpu.memory_space<hbm>>
        %dma_wait3A_794 = arith.constant 0 : i32
        %dma_wait3A_795 = arith.constant 0 : i32
        %dma_wait3A_796 = tpu.memref_slice %arg5[%sub3A_725, %dma_wait3A_786, %add3A, %dma_wait3A_794, %dma_wait3A_795] : memref<200x8x32x8x128xf32, #tpu.memory_space<hbm>> -> memref<1x1x1x8x128xf32, #tpu.memory_space<hbm>>
        %dma_wait3A_797 = tpu.memref_squeeze %dma_wait3A_796 : memref<1x1x1x8x128xf32, #tpu.memory_space<hbm>> -> memref<8x128xf32, #tpu.memory_space<hbm>>
        %dma_wait3A_798 = arith.constant 32 : i32
        %dma_wait3A_799 = arith.constant 0 : i32
        %dma_wait3A_800 = tpu.memref_slice %arg11[%dma_wait3A_798, %dma_wait3A_799] : memref<64x129xf32, #tpu.memory_space<vmem>> -> memref<8x128xf32, #tpu.memory_space<vmem>>
        tpu.wait_dma2 semaphore(%arg15 : memref<!tpu.dma_semaphore, #tpu.memory_space<semaphore_mem>>) src(%dma_wait3A_800 : memref<8x128xf32, #tpu.memory_space<vmem>>) dst(%dma_wait3A_797 : memref<8x128xf32, #tpu.memory_space<hbm>>)
        %dma_wait3A_801 = arith.constant 5 : i32
        %dma_wait3A_802 = arith.constant 40 : i32
        %dma_wait3A_803 = arith.constant 0 : i32
        %dma_wait3A_804 = tpu.memref_slice %arg11[%dma_wait3A_802, %dma_wait3A_803] : memref<64x129xf32, #tpu.memory_space<vmem>> -> memref<8x128xf32, #tpu.memory_space<vmem>>
        %dma_wait3A_805 = arith.constant 0 : i32
        %dma_wait3A_806 = arith.constant 0 : i32
        %dma_wait3A_807 = tpu.memref_slice %arg5[%sub3A_725, %dma_wait3A_801, %add3A, %dma_wait3A_805, %dma_wait3A_806] : memref<200x8x32x8x128xf32, #tpu.memory_space<hbm>> -> memref<1x1x1x8x128xf32, #tpu.memory_space<hbm>>
        %dma_wait3A_808 = tpu.memref_squeeze %dma_wait3A_807 : memref<1x1x1x8x128xf32, #tpu.memory_space<hbm>> -> memref<8x128xf32, #tpu.memory_space<hbm>>
        %dma_wait3A_809 = arith.constant 0 : i32
        %dma_wait3A_810 = arith.constant 0 : i32
        %dma_wait3A_811 = tpu.memref_slice %arg5[%sub3A_725, %dma_wait3A_801, %add3A, %dma_wait3A_809, %dma_wait3A_810] : memref<200x8x32x8x128xf32, #tpu.memory_space<hbm>> -> memref<1x1x1x8x128xf32, #tpu.memory_space<hbm>>
        %dma_wait3A_812 = tpu.memref_squeeze %dma_wait3A_811 : memref<1x1x1x8x128xf32, #tpu.memory_space<hbm>> -> memref<8x128xf32, #tpu.memory_space<hbm>>
        %dma_wait3A_813 = arith.constant 40 : i32
        %dma_wait3A_814 = arith.constant 0 : i32
        %dma_wait3A_815 = tpu.memref_slice %arg11[%dma_wait3A_813, %dma_wait3A_814] : memref<64x129xf32, #tpu.memory_space<vmem>> -> memref<8x128xf32, #tpu.memory_space<vmem>>
        tpu.wait_dma2 semaphore(%arg15 : memref<!tpu.dma_semaphore, #tpu.memory_space<semaphore_mem>>) src(%dma_wait3A_815 : memref<8x128xf32, #tpu.memory_space<vmem>>) dst(%dma_wait3A_812 : memref<8x128xf32, #tpu.memory_space<hbm>>)
        %dma_wait3A_816 = arith.constant 6 : i32
        %dma_wait3A_817 = arith.constant 48 : i32
        %dma_wait3A_818 = arith.constant 0 : i32
        %dma_wait3A_819 = tpu.memref_slice %arg11[%dma_wait3A_817, %dma_wait3A_818] : memref<64x129xf32, #tpu.memory_space<vmem>> -> memref<8x128xf32, #tpu.memory_space<vmem>>
        %dma_wait3A_820 = arith.constant 0 : i32
        %dma_wait3A_821 = arith.constant 0 : i32
        %dma_wait3A_822 = tpu.memref_slice %arg5[%sub3A_725, %dma_wait3A_816, %add3A, %dma_wait3A_820, %dma_wait3A_821] : memref<200x8x32x8x128xf32, #tpu.memory_space<hbm>> -> memref<1x1x1x8x128xf32, #tpu.memory_space<hbm>>
        %dma_wait3A_823 = tpu.memref_squeeze %dma_wait3A_822 : memref<1x1x1x8x128xf32, #tpu.memory_space<hbm>> -> memref<8x128xf32, #tpu.memory_space<hbm>>
        %dma_wait3A_824 = arith.constant 0 : i32
        %dma_wait3A_825 = arith.constant 0 : i32
        %dma_wait3A_826 = tpu.memref_slice %arg5[%sub3A_725, %dma_wait3A_816, %add3A, %dma_wait3A_824, %dma_wait3A_825] : memref<200x8x32x8x128xf32, #tpu.memory_space<hbm>> -> memref<1x1x1x8x128xf32, #tpu.memory_space<hbm>>
        %dma_wait3A_827 = tpu.memref_squeeze %dma_wait3A_826 : memref<1x1x1x8x128xf32, #tpu.memory_space<hbm>> -> memref<8x128xf32, #tpu.memory_space<hbm>>
        %dma_wait3A_828 = arith.constant 48 : i32
        %dma_wait3A_829 = arith.constant 0 : i32
        %dma_wait3A_830 = tpu.memref_slice %arg11[%dma_wait3A_828, %dma_wait3A_829] : memref<64x129xf32, #tpu.memory_space<vmem>> -> memref<8x128xf32, #tpu.memory_space<vmem>>
        tpu.wait_dma2 semaphore(%arg15 : memref<!tpu.dma_semaphore, #tpu.memory_space<semaphore_mem>>) src(%dma_wait3A_830 : memref<8x128xf32, #tpu.memory_space<vmem>>) dst(%dma_wait3A_827 : memref<8x128xf32, #tpu.memory_space<hbm>>)
        %dma_wait3A_831 = arith.constant 7 : i32
        %dma_wait3A_832 = arith.constant 56 : i32
        %dma_wait3A_833 = arith.constant 0 : i32
        %dma_wait3A_834 = tpu.memref_slice %arg11[%dma_wait3A_832, %dma_wait3A_833] : memref<64x129xf32, #tpu.memory_space<vmem>> -> memref<8x128xf32, #tpu.memory_space<vmem>>
        %dma_wait3A_835 = arith.constant 0 : i32
        %dma_wait3A_836 = arith.constant 0 : i32
        %dma_wait3A_837 = tpu.memref_slice %arg5[%sub3A_725, %dma_wait3A_831, %add3A, %dma_wait3A_835, %dma_wait3A_836] : memref<200x8x32x8x128xf32, #tpu.memory_space<hbm>> -> memref<1x1x1x8x128xf32, #tpu.memory_space<hbm>>
        %dma_wait3A_838 = tpu.memref_squeeze %dma_wait3A_837 : memref<1x1x1x8x128xf32, #tpu.memory_space<hbm>> -> memref<8x128xf32, #tpu.memory_space<hbm>>
        %dma_wait3A_839 = arith.constant 0 : i32
        %dma_wait3A_840 = arith.constant 0 : i32
        %dma_wait3A_841 = tpu.memref_slice %arg5[%sub3A_725, %dma_wait3A_831, %add3A, %dma_wait3A_839, %dma_wait3A_840] : memref<200x8x32x8x128xf32, #tpu.memory_space<hbm>> -> memref<1x1x1x8x128xf32, #tpu.memory_space<hbm>>
        %dma_wait3A_842 = tpu.memref_squeeze %dma_wait3A_841 : memref<1x1x1x8x128xf32, #tpu.memory_space<hbm>> -> memref<8x128xf32, #tpu.memory_space<hbm>>
        %dma_wait3A_843 = arith.constant 56 : i32
        %dma_wait3A_844 = arith.constant 0 : i32
        %dma_wait3A_845 = tpu.memref_slice %arg11[%dma_wait3A_843, %dma_wait3A_844] : memref<64x129xf32, #tpu.memory_space<vmem>> -> memref<8x128xf32, #tpu.memory_space<vmem>>
        tpu.wait_dma2 semaphore(%arg15 : memref<!tpu.dma_semaphore, #tpu.memory_space<semaphore_mem>>) src(%dma_wait3A_845 : memref<8x128xf32, #tpu.memory_space<vmem>>) dst(%dma_wait3A_842 : memref<8x128xf32, #tpu.memory_space<hbm>>)
      } else {
      }
      %add3A_579 = arith.constant 1 : i32
      %add3A_580 = arith.addi %mul3A_295, %add3A_579 : i32
      %mul3A_581 = arith.constant 64 : i32
      %mul3A_582 = arith.muli %add3A_580, %mul3A_581 : i32
      %add3A_583 = arith.constant 0 : i32
      %add3A_584 = arith.addi %mul3A_582, %add3A_583 : i32
      %get3A_585 = arith.index_cast %add3A_584 : i32 to index
      %get3A_586 = tpu.vector_load %arg7[%get3A_585] {strides = array<i32>} : memref<12800xf32, #tpu.memory_space<vmem>>, vector<16xf32>,
      %add3A_587 = arith.constant 16 : i32
      %add3A_588 = arith.addi %mul3A_582, %add3A_587 : i32
      %get3A_589 = arith.index_cast %add3A_588 : i32 to index
      %get3A_590 = tpu.vector_load %arg7[%get3A_589] {strides = array<i32>} : memref<12800xf32, #tpu.memory_space<vmem>>, vector<16xf32>,
      %add3A_591 = arith.constant 32 : i32
      %add3A_592 = arith.addi %mul3A_582, %add3A_591 : i32
      %get3A_593 = arith.index_cast %add3A_592 : i32 to index
      %get3A_594 = tpu.vector_load %arg7[%get3A_593] {strides = array<i32>} : memref<12800xf32, #tpu.memory_space<vmem>>, vector<16xf32>,
      %add3A_595 = arith.constant 48 : i32
      %add3A_596 = arith.addi %mul3A_582, %add3A_595 : i32
      %get3A_597 = arith.index_cast %add3A_596 : i32 to index
      %get3A_598 = tpu.vector_load %arg7[%get3A_597] {strides = array<i32>} : memref<12800xf32, #tpu.memory_space<vmem>>, vector<16xf32>,
      %parallel_loop3A_599 = arith.constant 0 : i32
      %parallel_loop3A_600 = arith.constant 128 : i32
      %parallel_loop3A_601 = arith.constant 1 : i32
      scf.for %parallel_loop3A_724 = %parallel_loop3A_599 to %parallel_loop3A_600 step %parallel_loop3A_601  : i32 {
        %parallel_loop3A_725 = vector.broadcast %parallel_loop3A_724 : i32 to vector<16xi32>
        %parallel_loop3A_726 = arith.addi %broadcast_in_dim3A_1, %parallel_loop3A_725 : vector<16xi32>
        %parallel_loop3A_727 = arith.index_cast %parallel_loop3A_724 : i32 to index
        %parallel_loop3A_728 = arith.constant 0 : index
        %parallel_loop3A_729 = tpu.vector_load %arg9[%parallel_loop3A_727, %parallel_loop3A_728] {strides = array<i32>} : memref<128x64xf32, #tpu.memory_space<vmem>>, vector<16xf32>,
        %parallel_loop3A_730 = arith.addf %parallel_loop3A_729, %get3A_586 : vector<16xf32>
        tpu.vector_store_idx %arg11[%add3A_4, %parallel_loop3A_726], %parallel_loop3A_730 : memref<64x129xf32, #tpu.memory_space<vmem>>[vector<16xi32>, vector<16xi32>], vector<16xf32>,
        %parallel_loop3A_731 = arith.index_cast %parallel_loop3A_724 : i32 to index
        %parallel_loop3A_732 = arith.constant 16 : index
        %parallel_loop3A_733 = tpu.vector_load %arg9[%parallel_loop3A_731, %parallel_loop3A_732] {strides = array<i32>} : memref<128x64xf32, #tpu.memory_space<vmem>>, vector<16xf32>,
        %parallel_loop3A_734 = arith.addf %parallel_loop3A_733, %get3A_590 : vector<16xf32>
        tpu.vector_store_idx %arg11[%add3A_7, %parallel_loop3A_726], %parallel_loop3A_734 : memref<64x129xf32, #tpu.memory_space<vmem>>[vector<16xi32>, vector<16xi32>], vector<16xf32>,
        %parallel_loop3A_735 = arith.index_cast %parallel_loop3A_724 : i32 to index
        %parallel_loop3A_736 = arith.constant 32 : index
        %parallel_loop3A_737 = tpu.vector_load %arg9[%parallel_loop3A_735, %parallel_loop3A_736] {strides = array<i32>} : memref<128x64xf32, #tpu.memory_space<vmem>>, vector<16xf32>,
        %parallel_loop3A_738 = arith.addf %parallel_loop3A_737, %get3A_594 : vector<16xf32>
        tpu.vector_store_idx %arg11[%add3A_10, %parallel_loop3A_726], %parallel_loop3A_738 : memref<64x129xf32, #tpu.memory_space<vmem>>[vector<16xi32>, vector<16xi32>], vector<16xf32>,
        %parallel_loop3A_739 = arith.index_cast %parallel_loop3A_724 : i32 to index
        %parallel_loop3A_740 = arith.constant 48 : index
        %parallel_loop3A_741 = tpu.vector_load %arg9[%parallel_loop3A_739, %parallel_loop3A_740] {strides = array<i32>} : memref<128x64xf32, #tpu.memory_space<vmem>>, vector<16xf32>,
        %parallel_loop3A_742 = arith.addf %parallel_loop3A_741, %get3A_598 : vector<16xf32>
        tpu.vector_store_idx %arg11[%add3A_13, %parallel_loop3A_726], %parallel_loop3A_742 : memref<64x129xf32, #tpu.memory_space<vmem>>[vector<16xi32>, vector<16xi32>], vector<16xf32>,
      } {sc.loop_unroll_factor = 2 : i64, sc.parallel_access}
      %add3A_602 = arith.constant 1 : i32
      %add3A_603 = arith.addi %mul3A_295, %add3A_602 : i32
      %dma_start3A_604 = arith.constant 0 : i32
      %dma_start3A_605 = arith.constant 0 : i32
      %dma_start3A_606 = arith.constant 0 : i32
      %dma_start3A_607 = tpu.memref_slice %arg11[%dma_start3A_605, %dma_start3A_606] : memref<64x129xf32, #tpu.memory_space<vmem>> -> memref<8x128xf32, #tpu.memory_space<vmem>>
      %dma_start3A_608 = arith.constant 0 : i32
      %dma_start3A_609 = arith.constant 0 : i32
      %dma_start3A_610 = tpu.memref_slice %arg5[%add3A_603, %dma_start3A_604, %add3A, %dma_start3A_608, %dma_start3A_609] : memref<200x8x32x8x128xf32, #tpu.memory_space<hbm>> -> memref<1x1x1x8x128xf32, #tpu.memory_space<hbm>>
      %dma_start3A_611 = tpu.memref_squeeze %dma_start3A_610 : memref<1x1x1x8x128xf32, #tpu.memory_space<hbm>> -> memref<8x128xf32, #tpu.memory_space<hbm>>
      %dma_start3A_612 = arith.constant 0 : i32
      %dma_start3A_613 = arith.constant 0 : i32
      %dma_start3A_614 = tpu.memref_slice %arg5[%add3A_603, %dma_start3A_604, %add3A, %dma_start3A_612, %dma_start3A_613] : memref<200x8x32x8x128xf32, #tpu.memory_space<hbm>> -> memref<1x1x1x8x128xf32, #tpu.memory_space<hbm>>
      %dma_start3A_615 = tpu.memref_squeeze %dma_start3A_614 : memref<1x1x1x8x128xf32, #tpu.memory_space<hbm>> -> memref<8x128xf32, #tpu.memory_space<hbm>>
      %dma_start3A_616 = arith.constant 0 : i32
      %dma_start3A_617 = arith.constant 0 : i32
      %dma_start3A_618 = tpu.memref_slice %arg11[%dma_start3A_616, %dma_start3A_617] : memref<64x129xf32, #tpu.memory_space<vmem>> -> memref<8x128xf32, #tpu.memory_space<vmem>>
      tpu.enqueue_dma source(%dma_start3A_618 : memref<8x128xf32, #tpu.memory_space<vmem>>) target(%dma_start3A_615 : memref<8x128xf32, #tpu.memory_space<hbm>>) target_semaphore(%arg15 : memref<!tpu.dma_semaphore, #tpu.memory_space<semaphore_mem>>)
      %dma_start3A_619 = arith.constant 1 : i32
      %dma_start3A_620 = arith.constant 8 : i32
      %dma_start3A_621 = arith.constant 0 : i32
      %dma_start3A_622 = tpu.memref_slice %arg11[%dma_start3A_620, %dma_start3A_621] : memref<64x129xf32, #tpu.memory_space<vmem>> -> memref<8x128xf32, #tpu.memory_space<vmem>>
      %dma_start3A_623 = arith.constant 0 : i32
      %dma_start3A_624 = arith.constant 0 : i32
      %dma_start3A_625 = tpu.memref_slice %arg5[%add3A_603, %dma_start3A_619, %add3A, %dma_start3A_623, %dma_start3A_624] : memref<200x8x32x8x128xf32, #tpu.memory_space<hbm>> -> memref<1x1x1x8x128xf32, #tpu.memory_space<hbm>>
      %dma_start3A_626 = tpu.memref_squeeze %dma_start3A_625 : memref<1x1x1x8x128xf32, #tpu.memory_space<hbm>> -> memref<8x128xf32, #tpu.memory_space<hbm>>
      %dma_start3A_627 = arith.constant 0 : i32
      %dma_start3A_628 = arith.constant 0 : i32
      %dma_start3A_629 = tpu.memref_slice %arg5[%add3A_603, %dma_start3A_619, %add3A, %dma_start3A_627, %dma_start3A_628] : memref<200x8x32x8x128xf32, #tpu.memory_space<hbm>> -> memref<1x1x1x8x128xf32, #tpu.memory_space<hbm>>
      %dma_start3A_630 = tpu.memref_squeeze %dma_start3A_629 : memref<1x1x1x8x128xf32, #tpu.memory_space<hbm>> -> memref<8x128xf32, #tpu.memory_space<hbm>>
      %dma_start3A_631 = arith.constant 8 : i32
      %dma_start3A_632 = arith.constant 0 : i32
      %dma_start3A_633 = tpu.memref_slice %arg11[%dma_start3A_631, %dma_start3A_632] : memref<64x129xf32, #tpu.memory_space<vmem>> -> memref<8x128xf32, #tpu.memory_space<vmem>>
      tpu.enqueue_dma source(%dma_start3A_633 : memref<8x128xf32, #tpu.memory_space<vmem>>) target(%dma_start3A_630 : memref<8x128xf32, #tpu.memory_space<hbm>>) target_semaphore(%arg15 : memref<!tpu.dma_semaphore, #tpu.memory_space<semaphore_mem>>)
      %dma_start3A_634 = arith.constant 2 : i32
      %dma_start3A_635 = arith.constant 16 : i32
      %dma_start3A_636 = arith.constant 0 : i32
      %dma_start3A_637 = tpu.memref_slice %arg11[%dma_start3A_635, %dma_start3A_636] : memref<64x129xf32, #tpu.memory_space<vmem>> -> memref<8x128xf32, #tpu.memory_space<vmem>>
      %dma_start3A_638 = arith.constant 0 : i32
      %dma_start3A_639 = arith.constant 0 : i32
      %dma_start3A_640 = tpu.memref_slice %arg5[%add3A_603, %dma_start3A_634, %add3A, %dma_start3A_638, %dma_start3A_639] : memref<200x8x32x8x128xf32, #tpu.memory_space<hbm>> -> memref<1x1x1x8x128xf32, #tpu.memory_space<hbm>>
      %dma_start3A_641 = tpu.memref_squeeze %dma_start3A_640 : memref<1x1x1x8x128xf32, #tpu.memory_space<hbm>> -> memref<8x128xf32, #tpu.memory_space<hbm>>
      %dma_start3A_642 = arith.constant 0 : i32
      %dma_start3A_643 = arith.constant 0 : i32
      %dma_start3A_644 = tpu.memref_slice %arg5[%add3A_603, %dma_start3A_634, %add3A, %dma_start3A_642, %dma_start3A_643] : memref<200x8x32x8x128xf32, #tpu.memory_space<hbm>> -> memref<1x1x1x8x128xf32, #tpu.memory_space<hbm>>
      %dma_start3A_645 = tpu.memref_squeeze %dma_start3A_644 : memref<1x1x1x8x128xf32, #tpu.memory_space<hbm>> -> memref<8x128xf32, #tpu.memory_space<hbm>>
      %dma_start3A_646 = arith.constant 16 : i32
      %dma_start3A_647 = arith.constant 0 : i32
      %dma_start3A_648 = tpu.memref_slice %arg11[%dma_start3A_646, %dma_start3A_647] : memref<64x129xf32, #tpu.memory_space<vmem>> -> memref<8x128xf32, #tpu.memory_space<vmem>>
      tpu.enqueue_dma source(%dma_start3A_648 : memref<8x128xf32, #tpu.memory_space<vmem>>) target(%dma_start3A_645 : memref<8x128xf32, #tpu.memory_space<hbm>>) target_semaphore(%arg15 : memref<!tpu.dma_semaphore, #tpu.memory_space<semaphore_mem>>)
      %dma_start3A_649 = arith.constant 3 : i32
      %dma_start3A_650 = arith.constant 24 : i32
      %dma_start3A_651 = arith.constant 0 : i32
      %dma_start3A_652 = tpu.memref_slice %arg11[%dma_start3A_650, %dma_start3A_651] : memref<64x129xf32, #tpu.memory_space<vmem>> -> memref<8x128xf32, #tpu.memory_space<vmem>>
      %dma_start3A_653 = arith.constant 0 : i32
      %dma_start3A_654 = arith.constant 0 : i32
      %dma_start3A_655 = tpu.memref_slice %arg5[%add3A_603, %dma_start3A_649, %add3A, %dma_start3A_653, %dma_start3A_654] : memref<200x8x32x8x128xf32, #tpu.memory_space<hbm>> -> memref<1x1x1x8x128xf32, #tpu.memory_space<hbm>>
      %dma_start3A_656 = tpu.memref_squeeze %dma_start3A_655 : memref<1x1x1x8x128xf32, #tpu.memory_space<hbm>> -> memref<8x128xf32, #tpu.memory_space<hbm>>
      %dma_start3A_657 = arith.constant 0 : i32
      %dma_start3A_658 = arith.constant 0 : i32
      %dma_start3A_659 = tpu.memref_slice %arg5[%add3A_603, %dma_start3A_649, %add3A, %dma_start3A_657, %dma_start3A_658] : memref<200x8x32x8x128xf32, #tpu.memory_space<hbm>> -> memref<1x1x1x8x128xf32, #tpu.memory_space<hbm>>
      %dma_start3A_660 = tpu.memref_squeeze %dma_start3A_659 : memref<1x1x1x8x128xf32, #tpu.memory_space<hbm>> -> memref<8x128xf32, #tpu.memory_space<hbm>>
      %dma_start3A_661 = arith.constant 24 : i32
      %dma_start3A_662 = arith.constant 0 : i32
      %dma_start3A_663 = tpu.memref_slice %arg11[%dma_start3A_661, %dma_start3A_662] : memref<64x129xf32, #tpu.memory_space<vmem>> -> memref<8x128xf32, #tpu.memory_space<vmem>>
      tpu.enqueue_dma source(%dma_start3A_663 : memref<8x128xf32, #tpu.memory_space<vmem>>) target(%dma_start3A_660 : memref<8x128xf32, #tpu.memory_space<hbm>>) target_semaphore(%arg15 : memref<!tpu.dma_semaphore, #tpu.memory_space<semaphore_mem>>)
      %dma_start3A_664 = arith.constant 4 : i32
      %dma_start3A_665 = arith.constant 32 : i32
      %dma_start3A_666 = arith.constant 0 : i32
      %dma_start3A_667 = tpu.memref_slice %arg11[%dma_start3A_665, %dma_start3A_666] : memref<64x129xf32, #tpu.memory_space<vmem>> -> memref<8x128xf32, #tpu.memory_space<vmem>>
      %dma_start3A_668 = arith.constant 0 : i32
      %dma_start3A_669 = arith.constant 0 : i32
      %dma_start3A_670 = tpu.memref_slice %arg5[%add3A_603, %dma_start3A_664, %add3A, %dma_start3A_668, %dma_start3A_669] : memref<200x8x32x8x128xf32, #tpu.memory_space<hbm>> -> memref<1x1x1x8x128xf32, #tpu.memory_space<hbm>>
      %dma_start3A_671 = tpu.memref_squeeze %dma_start3A_670 : memref<1x1x1x8x128xf32, #tpu.memory_space<hbm>> -> memref<8x128xf32, #tpu.memory_space<hbm>>
      %dma_start3A_672 = arith.constant 0 : i32
      %dma_start3A_673 = arith.constant 0 : i32
      %dma_start3A_674 = tpu.memref_slice %arg5[%add3A_603, %dma_start3A_664, %add3A, %dma_start3A_672, %dma_start3A_673] : memref<200x8x32x8x128xf32, #tpu.memory_space<hbm>> -> memref<1x1x1x8x128xf32, #tpu.memory_space<hbm>>
      %dma_start3A_675 = tpu.memref_squeeze %dma_start3A_674 : memref<1x1x1x8x128xf32, #tpu.memory_space<hbm>> -> memref<8x128xf32, #tpu.memory_space<hbm>>
      %dma_start3A_676 = arith.constant 32 : i32
      %dma_start3A_677 = arith.constant 0 : i32
      %dma_start3A_678 = tpu.memref_slice %arg11[%dma_start3A_676, %dma_start3A_677] : memref<64x129xf32, #tpu.memory_space<vmem>> -> memref<8x128xf32, #tpu.memory_space<vmem>>
      tpu.enqueue_dma source(%dma_start3A_678 : memref<8x128xf32, #tpu.memory_space<vmem>>) target(%dma_start3A_675 : memref<8x128xf32, #tpu.memory_space<hbm>>) target_semaphore(%arg15 : memref<!tpu.dma_semaphore, #tpu.memory_space<semaphore_mem>>)
      %dma_start3A_679 = arith.constant 5 : i32
      %dma_start3A_680 = arith.constant 40 : i32
      %dma_start3A_681 = arith.constant 0 : i32
      %dma_start3A_682 = tpu.memref_slice %arg11[%dma_start3A_680, %dma_start3A_681] : memref<64x129xf32, #tpu.memory_space<vmem>> -> memref<8x128xf32, #tpu.memory_space<vmem>>
      %dma_start3A_683 = arith.constant 0 : i32
      %dma_start3A_684 = arith.constant 0 : i32
      %dma_start3A_685 = tpu.memref_slice %arg5[%add3A_603, %dma_start3A_679, %add3A, %dma_start3A_683, %dma_start3A_684] : memref<200x8x32x8x128xf32, #tpu.memory_space<hbm>> -> memref<1x1x1x8x128xf32, #tpu.memory_space<hbm>>
      %dma_start3A_686 = tpu.memref_squeeze %dma_start3A_685 : memref<1x1x1x8x128xf32, #tpu.memory_space<hbm>> -> memref<8x128xf32, #tpu.memory_space<hbm>>
      %dma_start3A_687 = arith.constant 0 : i32
      %dma_start3A_688 = arith.constant 0 : i32
      %dma_start3A_689 = tpu.memref_slice %arg5[%add3A_603, %dma_start3A_679, %add3A, %dma_start3A_687, %dma_start3A_688] : memref<200x8x32x8x128xf32, #tpu.memory_space<hbm>> -> memref<1x1x1x8x128xf32, #tpu.memory_space<hbm>>
      %dma_start3A_690 = tpu.memref_squeeze %dma_start3A_689 : memref<1x1x1x8x128xf32, #tpu.memory_space<hbm>> -> memref<8x128xf32, #tpu.memory_space<hbm>>
      %dma_start3A_691 = arith.constant 40 : i32
      %dma_start3A_692 = arith.constant 0 : i32
      %dma_start3A_693 = tpu.memref_slice %arg11[%dma_start3A_691, %dma_start3A_692] : memref<64x129xf32, #tpu.memory_space<vmem>> -> memref<8x128xf32, #tpu.memory_space<vmem>>
      tpu.enqueue_dma source(%dma_start3A_693 : memref<8x128xf32, #tpu.memory_space<vmem>>) target(%dma_start3A_690 : memref<8x128xf32, #tpu.memory_space<hbm>>) target_semaphore(%arg15 : memref<!tpu.dma_semaphore, #tpu.memory_space<semaphore_mem>>)
      %dma_start3A_694 = arith.constant 6 : i32
      %dma_start3A_695 = arith.constant 48 : i32
      %dma_start3A_696 = arith.constant 0 : i32
      %dma_start3A_697 = tpu.memref_slice %arg11[%dma_start3A_695, %dma_start3A_696] : memref<64x129xf32, #tpu.memory_space<vmem>> -> memref<8x128xf32, #tpu.memory_space<vmem>>
      %dma_start3A_698 = arith.constant 0 : i32
      %dma_start3A_699 = arith.constant 0 : i32
      %dma_start3A_700 = tpu.memref_slice %arg5[%add3A_603, %dma_start3A_694, %add3A, %dma_start3A_698, %dma_start3A_699] : memref<200x8x32x8x128xf32, #tpu.memory_space<hbm>> -> memref<1x1x1x8x128xf32, #tpu.memory_space<hbm>>
      %dma_start3A_701 = tpu.memref_squeeze %dma_start3A_700 : memref<1x1x1x8x128xf32, #tpu.memory_space<hbm>> -> memref<8x128xf32, #tpu.memory_space<hbm>>
      %dma_start3A_702 = arith.constant 0 : i32
      %dma_start3A_703 = arith.constant 0 : i32
      %dma_start3A_704 = tpu.memref_slice %arg5[%add3A_603, %dma_start3A_694, %add3A, %dma_start3A_702, %dma_start3A_703] : memref<200x8x32x8x128xf32, #tpu.memory_space<hbm>> -> memref<1x1x1x8x128xf32, #tpu.memory_space<hbm>>
      %dma_start3A_705 = tpu.memref_squeeze %dma_start3A_704 : memref<1x1x1x8x128xf32, #tpu.memory_space<hbm>> -> memref<8x128xf32, #tpu.memory_space<hbm>>
      %dma_start3A_706 = arith.constant 48 : i32
      %dma_start3A_707 = arith.constant 0 : i32
      %dma_start3A_708 = tpu.memref_slice %arg11[%dma_start3A_706, %dma_start3A_707] : memref<64x129xf32, #tpu.memory_space<vmem>> -> memref<8x128xf32, #tpu.memory_space<vmem>>
      tpu.enqueue_dma source(%dma_start3A_708 : memref<8x128xf32, #tpu.memory_space<vmem>>) target(%dma_start3A_705 : memref<8x128xf32, #tpu.memory_space<hbm>>) target_semaphore(%arg15 : memref<!tpu.dma_semaphore, #tpu.memory_space<semaphore_mem>>)
      %dma_start3A_709 = arith.constant 7 : i32
      %dma_start3A_710 = arith.constant 56 : i32
      %dma_start3A_711 = arith.constant 0 : i32
      %dma_start3A_712 = tpu.memref_slice %arg11[%dma_start3A_710, %dma_start3A_711] : memref<64x129xf32, #tpu.memory_space<vmem>> -> memref<8x128xf32, #tpu.memory_space<vmem>>
      %dma_start3A_713 = arith.constant 0 : i32
      %dma_start3A_714 = arith.constant 0 : i32
      %dma_start3A_715 = tpu.memref_slice %arg5[%add3A_603, %dma_start3A_709, %add3A, %dma_start3A_713, %dma_start3A_714] : memref<200x8x32x8x128xf32, #tpu.memory_space<hbm>> -> memref<1x1x1x8x128xf32, #tpu.memory_space<hbm>>
      %dma_start3A_716 = tpu.memref_squeeze %dma_start3A_715 : memref<1x1x1x8x128xf32, #tpu.memory_space<hbm>> -> memref<8x128xf32, #tpu.memory_space<hbm>>
      %dma_start3A_717 = arith.constant 0 : i32
      %dma_start3A_718 = arith.constant 0 : i32
      %dma_start3A_719 = tpu.memref_slice %arg5[%add3A_603, %dma_start3A_709, %add3A, %dma_start3A_717, %dma_start3A_718] : memref<200x8x32x8x128xf32, #tpu.memory_space<hbm>> -> memref<1x1x1x8x128xf32, #tpu.memory_space<hbm>>
      %dma_start3A_720 = tpu.memref_squeeze %dma_start3A_719 : memref<1x1x1x8x128xf32, #tpu.memory_space<hbm>> -> memref<8x128xf32, #tpu.memory_space<hbm>>
      %dma_start3A_721 = arith.constant 56 : i32
      %dma_start3A_722 = arith.constant 0 : i32
      %dma_start3A_723 = tpu.memref_slice %arg11[%dma_start3A_721, %dma_start3A_722] : memref<64x129xf32, #tpu.memory_space<vmem>> -> memref<8x128xf32, #tpu.memory_space<vmem>>
      tpu.enqueue_dma source(%dma_start3A_723 : memref<8x128xf32, #tpu.memory_space<vmem>>) target(%dma_start3A_720 : memref<8x128xf32, #tpu.memory_space<hbm>>) target_semaphore(%arg15 : memref<!tpu.dma_semaphore, #tpu.memory_space<semaphore_mem>>)
    }
    %scan3A_37 = arith.constant 100 : i32
    %dma_wait3A = arith.constant 198 : i32
    %dma_wait3A_38 = arith.constant 0 : i32
    %dma_wait3A_39 = arith.constant 0 : i32
    %dma_wait3A_40 = arith.constant 0 : i32
    %dma_wait3A_41 = tpu.memref_slice %arg10[%dma_wait3A_39, %dma_wait3A_40] : memref<64x129xf32, #tpu.memory_space<vmem>> -> memref<8x128xf32, #tpu.memory_space<vmem>>
    %dma_wait3A_42 = arith.constant 0 : i32
    %dma_wait3A_43 = arith.constant 0 : i32
    %dma_wait3A_44 = tpu.memref_slice %arg5[%dma_wait3A, %dma_wait3A_38, %add3A, %dma_wait3A_42, %dma_wait3A_43] : memref<200x8x32x8x128xf32, #tpu.memory_space<hbm>> -> memref<1x1x1x8x128xf32, #tpu.memory_space<hbm>>
    %dma_wait3A_45 = tpu.memref_squeeze %dma_wait3A_44 : memref<1x1x1x8x128xf32, #tpu.memory_space<hbm>> -> memref<8x128xf32, #tpu.memory_space<hbm>>
    %dma_wait3A_46 = arith.constant 0 : i32
    %dma_wait3A_47 = arith.constant 0 : i32
    %dma_wait3A_48 = tpu.memref_slice %arg5[%dma_wait3A, %dma_wait3A_38, %add3A, %dma_wait3A_46, %dma_wait3A_47] : memref<200x8x32x8x128xf32, #tpu.memory_space<hbm>> -> memref<1x1x1x8x128xf32, #tpu.memory_space<hbm>>
    %dma_wait3A_49 = tpu.memref_squeeze %dma_wait3A_48 : memref<1x1x1x8x128xf32, #tpu.memory_space<hbm>> -> memref<8x128xf32, #tpu.memory_space<hbm>>
    %dma_wait3A_50 = arith.constant 0 : i32
    %dma_wait3A_51 = arith.constant 0 : i32
    %dma_wait3A_52 = tpu.memref_slice %arg10[%dma_wait3A_50, %dma_wait3A_51] : memref<64x129xf32, #tpu.memory_space<vmem>> -> memref<8x128xf32, #tpu.memory_space<vmem>>
    tpu.wait_dma2 semaphore(%arg14 : memref<!tpu.dma_semaphore, #tpu.memory_space<semaphore_mem>>) src(%dma_wait3A_52 : memref<8x128xf32, #tpu.memory_space<vmem>>) dst(%dma_wait3A_49 : memref<8x128xf32, #tpu.memory_space<hbm>>)
    %dma_wait3A_53 = arith.constant 198 : i32
    %dma_wait3A_54 = arith.constant 1 : i32
    %dma_wait3A_55 = arith.constant 8 : i32
    %dma_wait3A_56 = arith.constant 0 : i32
    %dma_wait3A_57 = tpu.memref_slice %arg10[%dma_wait3A_55, %dma_wait3A_56] : memref<64x129xf32, #tpu.memory_space<vmem>> -> memref<8x128xf32, #tpu.memory_space<vmem>>
    %dma_wait3A_58 = arith.constant 0 : i32
    %dma_wait3A_59 = arith.constant 0 : i32
    %dma_wait3A_60 = tpu.memref_slice %arg5[%dma_wait3A_53, %dma_wait3A_54, %add3A, %dma_wait3A_58, %dma_wait3A_59] : memref<200x8x32x8x128xf32, #tpu.memory_space<hbm>> -> memref<1x1x1x8x128xf32, #tpu.memory_space<hbm>>
    %dma_wait3A_61 = tpu.memref_squeeze %dma_wait3A_60 : memref<1x1x1x8x128xf32, #tpu.memory_space<hbm>> -> memref<8x128xf32, #tpu.memory_space<hbm>>
    %dma_wait3A_62 = arith.constant 0 : i32
    %dma_wait3A_63 = arith.constant 0 : i32
    %dma_wait3A_64 = tpu.memref_slice %arg5[%dma_wait3A_53, %dma_wait3A_54, %add3A, %dma_wait3A_62, %dma_wait3A_63] : memref<200x8x32x8x128xf32, #tpu.memory_space<hbm>> -> memref<1x1x1x8x128xf32, #tpu.memory_space<hbm>>
    %dma_wait3A_65 = tpu.memref_squeeze %dma_wait3A_64 : memref<1x1x1x8x128xf32, #tpu.memory_space<hbm>> -> memref<8x128xf32, #tpu.memory_space<hbm>>
    %dma_wait3A_66 = arith.constant 8 : i32
    %dma_wait3A_67 = arith.constant 0 : i32
    %dma_wait3A_68 = tpu.memref_slice %arg10[%dma_wait3A_66, %dma_wait3A_67] : memref<64x129xf32, #tpu.memory_space<vmem>> -> memref<8x128xf32, #tpu.memory_space<vmem>>
    tpu.wait_dma2 semaphore(%arg14 : memref<!tpu.dma_semaphore, #tpu.memory_space<semaphore_mem>>) src(%dma_wait3A_68 : memref<8x128xf32, #tpu.memory_space<vmem>>) dst(%dma_wait3A_65 : memref<8x128xf32, #tpu.memory_space<hbm>>)
    %dma_wait3A_69 = arith.constant 198 : i32
    %dma_wait3A_70 = arith.constant 2 : i32
    %dma_wait3A_71 = arith.constant 16 : i32
    %dma_wait3A_72 = arith.constant 0 : i32
    %dma_wait3A_73 = tpu.memref_slice %arg10[%dma_wait3A_71, %dma_wait3A_72] : memref<64x129xf32, #tpu.memory_space<vmem>> -> memref<8x128xf32, #tpu.memory_space<vmem>>
    %dma_wait3A_74 = arith.constant 0 : i32
    %dma_wait3A_75 = arith.constant 0 : i32
    %dma_wait3A_76 = tpu.memref_slice %arg5[%dma_wait3A_69, %dma_wait3A_70, %add3A, %dma_wait3A_74, %dma_wait3A_75] : memref<200x8x32x8x128xf32, #tpu.memory_space<hbm>> -> memref<1x1x1x8x128xf32, #tpu.memory_space<hbm>>
    %dma_wait3A_77 = tpu.memref_squeeze %dma_wait3A_76 : memref<1x1x1x8x128xf32, #tpu.memory_space<hbm>> -> memref<8x128xf32, #tpu.memory_space<hbm>>
    %dma_wait3A_78 = arith.constant 0 : i32
    %dma_wait3A_79 = arith.constant 0 : i32
    %dma_wait3A_80 = tpu.memref_slice %arg5[%dma_wait3A_69, %dma_wait3A_70, %add3A, %dma_wait3A_78, %dma_wait3A_79] : memref<200x8x32x8x128xf32, #tpu.memory_space<hbm>> -> memref<1x1x1x8x128xf32, #tpu.memory_space<hbm>>
    %dma_wait3A_81 = tpu.memref_squeeze %dma_wait3A_80 : memref<1x1x1x8x128xf32, #tpu.memory_space<hbm>> -> memref<8x128xf32, #tpu.memory_space<hbm>>
    %dma_wait3A_82 = arith.constant 16 : i32
    %dma_wait3A_83 = arith.constant 0 : i32
    %dma_wait3A_84 = tpu.memref_slice %arg10[%dma_wait3A_82, %dma_wait3A_83] : memref<64x129xf32, #tpu.memory_space<vmem>> -> memref<8x128xf32, #tpu.memory_space<vmem>>
    tpu.wait_dma2 semaphore(%arg14 : memref<!tpu.dma_semaphore, #tpu.memory_space<semaphore_mem>>) src(%dma_wait3A_84 : memref<8x128xf32, #tpu.memory_space<vmem>>) dst(%dma_wait3A_81 : memref<8x128xf32, #tpu.memory_space<hbm>>)
    %dma_wait3A_85 = arith.constant 198 : i32
    %dma_wait3A_86 = arith.constant 3 : i32
    %dma_wait3A_87 = arith.constant 24 : i32
    %dma_wait3A_88 = arith.constant 0 : i32
    %dma_wait3A_89 = tpu.memref_slice %arg10[%dma_wait3A_87, %dma_wait3A_88] : memref<64x129xf32, #tpu.memory_space<vmem>> -> memref<8x128xf32, #tpu.memory_space<vmem>>
    %dma_wait3A_90 = arith.constant 0 : i32
    %dma_wait3A_91 = arith.constant 0 : i32
    %dma_wait3A_92 = tpu.memref_slice %arg5[%dma_wait3A_85, %dma_wait3A_86, %add3A, %dma_wait3A_90, %dma_wait3A_91] : memref<200x8x32x8x128xf32, #tpu.memory_space<hbm>> -> memref<1x1x1x8x128xf32, #tpu.memory_space<hbm>>
    %dma_wait3A_93 = tpu.memref_squeeze %dma_wait3A_92 : memref<1x1x1x8x128xf32, #tpu.memory_space<hbm>> -> memref<8x128xf32, #tpu.memory_space<hbm>>
    %dma_wait3A_94 = arith.constant 0 : i32
    %dma_wait3A_95 = arith.constant 0 : i32
    %dma_wait3A_96 = tpu.memref_slice %arg5[%dma_wait3A_85, %dma_wait3A_86, %add3A, %dma_wait3A_94, %dma_wait3A_95] : memref<200x8x32x8x128xf32, #tpu.memory_space<hbm>> -> memref<1x1x1x8x128xf32, #tpu.memory_space<hbm>>
    %dma_wait3A_97 = tpu.memref_squeeze %dma_wait3A_96 : memref<1x1x1x8x128xf32, #tpu.memory_space<hbm>> -> memref<8x128xf32, #tpu.memory_space<hbm>>
    %dma_wait3A_98 = arith.constant 24 : i32
    %dma_wait3A_99 = arith.constant 0 : i32
    %dma_wait3A_100 = tpu.memref_slice %arg10[%dma_wait3A_98, %dma_wait3A_99] : memref<64x129xf32, #tpu.memory_space<vmem>> -> memref<8x128xf32, #tpu.memory_space<vmem>>
    tpu.wait_dma2 semaphore(%arg14 : memref<!tpu.dma_semaphore, #tpu.memory_space<semaphore_mem>>) src(%dma_wait3A_100 : memref<8x128xf32, #tpu.memory_space<vmem>>) dst(%dma_wait3A_97 : memref<8x128xf32, #tpu.memory_space<hbm>>)
    %dma_wait3A_101 = arith.constant 198 : i32
    %dma_wait3A_102 = arith.constant 4 : i32
    %dma_wait3A_103 = arith.constant 32 : i32
    %dma_wait3A_104 = arith.constant 0 : i32
    %dma_wait3A_105 = tpu.memref_slice %arg10[%dma_wait3A_103, %dma_wait3A_104] : memref<64x129xf32, #tpu.memory_space<vmem>> -> memref<8x128xf32, #tpu.memory_space<vmem>>
    %dma_wait3A_106 = arith.constant 0 : i32
    %dma_wait3A_107 = arith.constant 0 : i32
    %dma_wait3A_108 = tpu.memref_slice %arg5[%dma_wait3A_101, %dma_wait3A_102, %add3A, %dma_wait3A_106, %dma_wait3A_107] : memref<200x8x32x8x128xf32, #tpu.memory_space<hbm>> -> memref<1x1x1x8x128xf32, #tpu.memory_space<hbm>>
    %dma_wait3A_109 = tpu.memref_squeeze %dma_wait3A_108 : memref<1x1x1x8x128xf32, #tpu.memory_space<hbm>> -> memref<8x128xf32, #tpu.memory_space<hbm>>
    %dma_wait3A_110 = arith.constant 0 : i32
    %dma_wait3A_111 = arith.constant 0 : i32
    %dma_wait3A_112 = tpu.memref_slice %arg5[%dma_wait3A_101, %dma_wait3A_102, %add3A, %dma_wait3A_110, %dma_wait3A_111] : memref<200x8x32x8x128xf32, #tpu.memory_space<hbm>> -> memref<1x1x1x8x128xf32, #tpu.memory_space<hbm>>
    %dma_wait3A_113 = tpu.memref_squeeze %dma_wait3A_112 : memref<1x1x1x8x128xf32, #tpu.memory_space<hbm>> -> memref<8x128xf32, #tpu.memory_space<hbm>>
    %dma_wait3A_114 = arith.constant 32 : i32
    %dma_wait3A_115 = arith.constant 0 : i32
    %dma_wait3A_116 = tpu.memref_slice %arg10[%dma_wait3A_114, %dma_wait3A_115] : memref<64x129xf32, #tpu.memory_space<vmem>> -> memref<8x128xf32, #tpu.memory_space<vmem>>
    tpu.wait_dma2 semaphore(%arg14 : memref<!tpu.dma_semaphore, #tpu.memory_space<semaphore_mem>>) src(%dma_wait3A_116 : memref<8x128xf32, #tpu.memory_space<vmem>>) dst(%dma_wait3A_113 : memref<8x128xf32, #tpu.memory_space<hbm>>)
    %dma_wait3A_117 = arith.constant 198 : i32
    %dma_wait3A_118 = arith.constant 5 : i32
    %dma_wait3A_119 = arith.constant 40 : i32
    %dma_wait3A_120 = arith.constant 0 : i32
    %dma_wait3A_121 = tpu.memref_slice %arg10[%dma_wait3A_119, %dma_wait3A_120] : memref<64x129xf32, #tpu.memory_space<vmem>> -> memref<8x128xf32, #tpu.memory_space<vmem>>
    %dma_wait3A_122 = arith.constant 0 : i32
    %dma_wait3A_123 = arith.constant 0 : i32
    %dma_wait3A_124 = tpu.memref_slice %arg5[%dma_wait3A_117, %dma_wait3A_118, %add3A, %dma_wait3A_122, %dma_wait3A_123] : memref<200x8x32x8x128xf32, #tpu.memory_space<hbm>> -> memref<1x1x1x8x128xf32, #tpu.memory_space<hbm>>
    %dma_wait3A_125 = tpu.memref_squeeze %dma_wait3A_124 : memref<1x1x1x8x128xf32, #tpu.memory_space<hbm>> -> memref<8x128xf32, #tpu.memory_space<hbm>>
    %dma_wait3A_126 = arith.constant 0 : i32
    %dma_wait3A_127 = arith.constant 0 : i32
    %dma_wait3A_128 = tpu.memref_slice %arg5[%dma_wait3A_117, %dma_wait3A_118, %add3A, %dma_wait3A_126, %dma_wait3A_127] : memref<200x8x32x8x128xf32, #tpu.memory_space<hbm>> -> memref<1x1x1x8x128xf32, #tpu.memory_space<hbm>>
    %dma_wait3A_129 = tpu.memref_squeeze %dma_wait3A_128 : memref<1x1x1x8x128xf32, #tpu.memory_space<hbm>> -> memref<8x128xf32, #tpu.memory_space<hbm>>
    %dma_wait3A_130 = arith.constant 40 : i32
    %dma_wait3A_131 = arith.constant 0 : i32
    %dma_wait3A_132 = tpu.memref_slice %arg10[%dma_wait3A_130, %dma_wait3A_131] : memref<64x129xf32, #tpu.memory_space<vmem>> -> memref<8x128xf32, #tpu.memory_space<vmem>>
    tpu.wait_dma2 semaphore(%arg14 : memref<!tpu.dma_semaphore, #tpu.memory_space<semaphore_mem>>) src(%dma_wait3A_132 : memref<8x128xf32, #tpu.memory_space<vmem>>) dst(%dma_wait3A_129 : memref<8x128xf32, #tpu.memory_space<hbm>>)
    %dma_wait3A_133 = arith.constant 198 : i32
    %dma_wait3A_134 = arith.constant 6 : i32
    %dma_wait3A_135 = arith.constant 48 : i32
    %dma_wait3A_136 = arith.constant 0 : i32
    %dma_wait3A_137 = tpu.memref_slice %arg10[%dma_wait3A_135, %dma_wait3A_136] : memref<64x129xf32, #tpu.memory_space<vmem>> -> memref<8x128xf32, #tpu.memory_space<vmem>>
    %dma_wait3A_138 = arith.constant 0 : i32
    %dma_wait3A_139 = arith.constant 0 : i32
    %dma_wait3A_140 = tpu.memref_slice %arg5[%dma_wait3A_133, %dma_wait3A_134, %add3A, %dma_wait3A_138, %dma_wait3A_139] : memref<200x8x32x8x128xf32, #tpu.memory_space<hbm>> -> memref<1x1x1x8x128xf32, #tpu.memory_space<hbm>>
    %dma_wait3A_141 = tpu.memref_squeeze %dma_wait3A_140 : memref<1x1x1x8x128xf32, #tpu.memory_space<hbm>> -> memref<8x128xf32, #tpu.memory_space<hbm>>
    %dma_wait3A_142 = arith.constant 0 : i32
    %dma_wait3A_143 = arith.constant 0 : i32
    %dma_wait3A_144 = tpu.memref_slice %arg5[%dma_wait3A_133, %dma_wait3A_134, %add3A, %dma_wait3A_142, %dma_wait3A_143] : memref<200x8x32x8x128xf32, #tpu.memory_space<hbm>> -> memref<1x1x1x8x128xf32, #tpu.memory_space<hbm>>
    %dma_wait3A_145 = tpu.memref_squeeze %dma_wait3A_144 : memref<1x1x1x8x128xf32, #tpu.memory_space<hbm>> -> memref<8x128xf32, #tpu.memory_space<hbm>>
    %dma_wait3A_146 = arith.constant 48 : i32
    %dma_wait3A_147 = arith.constant 0 : i32
    %dma_wait3A_148 = tpu.memref_slice %arg10[%dma_wait3A_146, %dma_wait3A_147] : memref<64x129xf32, #tpu.memory_space<vmem>> -> memref<8x128xf32, #tpu.memory_space<vmem>>
    tpu.wait_dma2 semaphore(%arg14 : memref<!tpu.dma_semaphore, #tpu.memory_space<semaphore_mem>>) src(%dma_wait3A_148 : memref<8x128xf32, #tpu.memory_space<vmem>>) dst(%dma_wait3A_145 : memref<8x128xf32, #tpu.memory_space<hbm>>)
    %dma_wait3A_149 = arith.constant 198 : i32
    %dma_wait3A_150 = arith.constant 7 : i32
    %dma_wait3A_151 = arith.constant 56 : i32
    %dma_wait3A_152 = arith.constant 0 : i32
    %dma_wait3A_153 = tpu.memref_slice %arg10[%dma_wait3A_151, %dma_wait3A_152] : memref<64x129xf32, #tpu.memory_space<vmem>> -> memref<8x128xf32, #tpu.memory_space<vmem>>
    %dma_wait3A_154 = arith.constant 0 : i32
    %dma_wait3A_155 = arith.constant 0 : i32
    %dma_wait3A_156 = tpu.memref_slice %arg5[%dma_wait3A_149, %dma_wait3A_150, %add3A, %dma_wait3A_154, %dma_wait3A_155] : memref<200x8x32x8x128xf32, #tpu.memory_space<hbm>> -> memref<1x1x1x8x128xf32, #tpu.memory_space<hbm>>
    %dma_wait3A_157 = tpu.memref_squeeze %dma_wait3A_156 : memref<1x1x1x8x128xf32, #tpu.memory_space<hbm>> -> memref<8x128xf32, #tpu.memory_space<hbm>>
    %dma_wait3A_158 = arith.constant 0 : i32
    %dma_wait3A_159 = arith.constant 0 : i32
    %dma_wait3A_160 = tpu.memref_slice %arg5[%dma_wait3A_149, %dma_wait3A_150, %add3A, %dma_wait3A_158, %dma_wait3A_159] : memref<200x8x32x8x128xf32, #tpu.memory_space<hbm>> -> memref<1x1x1x8x128xf32, #tpu.memory_space<hbm>>
    %dma_wait3A_161 = tpu.memref_squeeze %dma_wait3A_160 : memref<1x1x1x8x128xf32, #tpu.memory_space<hbm>> -> memref<8x128xf32, #tpu.memory_space<hbm>>
    %dma_wait3A_162 = arith.constant 56 : i32
    %dma_wait3A_163 = arith.constant 0 : i32
    %dma_wait3A_164 = tpu.memref_slice %arg10[%dma_wait3A_162, %dma_wait3A_163] : memref<64x129xf32, #tpu.memory_space<vmem>> -> memref<8x128xf32, #tpu.memory_space<vmem>>
    tpu.wait_dma2 semaphore(%arg14 : memref<!tpu.dma_semaphore, #tpu.memory_space<semaphore_mem>>) src(%dma_wait3A_164 : memref<8x128xf32, #tpu.memory_space<vmem>>) dst(%dma_wait3A_161 : memref<8x128xf32, #tpu.memory_space<hbm>>)
    %dma_wait3A_165 = arith.constant 199 : i32
    %dma_wait3A_166 = arith.constant 0 : i32
    %dma_wait3A_167 = arith.constant 0 : i32
    %dma_wait3A_168 = arith.constant 0 : i32
    %dma_wait3A_169 = tpu.memref_slice %arg11[%dma_wait3A_167, %dma_wait3A_168] : memref<64x129xf32, #tpu.memory_space<vmem>> -> memref<8x128xf32, #tpu.memory_space<vmem>>
    %dma_wait3A_170 = arith.constant 0 : i32
    %dma_wait3A_171 = arith.constant 0 : i32
    %dma_wait3A_172 = tpu.memref_slice %arg5[%dma_wait3A_165, %dma_wait3A_166, %add3A, %dma_wait3A_170, %dma_wait3A_171] : memref<200x8x32x8x128xf32, #tpu.memory_space<hbm>> -> memref<1x1x1x8x128xf32, #tpu.memory_space<hbm>>
    %dma_wait3A_173 = tpu.memref_squeeze %dma_wait3A_172 : memref<1x1x1x8x128xf32, #tpu.memory_space<hbm>> -> memref<8x128xf32, #tpu.memory_space<hbm>>
    %dma_wait3A_174 = arith.constant 0 : i32
    %dma_wait3A_175 = arith.constant 0 : i32
    %dma_wait3A_176 = tpu.memref_slice %arg5[%dma_wait3A_165, %dma_wait3A_166, %add3A, %dma_wait3A_174, %dma_wait3A_175] : memref<200x8x32x8x128xf32, #tpu.memory_space<hbm>> -> memref<1x1x1x8x128xf32, #tpu.memory_space<hbm>>
    %dma_wait3A_177 = tpu.memref_squeeze %dma_wait3A_176 : memref<1x1x1x8x128xf32, #tpu.memory_space<hbm>> -> memref<8x128xf32, #tpu.memory_space<hbm>>
    %dma_wait3A_178 = arith.constant 0 : i32
    %dma_wait3A_179 = arith.constant 0 : i32
    %dma_wait3A_180 = tpu.memref_slice %arg11[%dma_wait3A_178, %dma_wait3A_179] : memref<64x129xf32, #tpu.memory_space<vmem>> -> memref<8x128xf32, #tpu.memory_space<vmem>>
    tpu.wait_dma2 semaphore(%arg15 : memref<!tpu.dma_semaphore, #tpu.memory_space<semaphore_mem>>) src(%dma_wait3A_180 : memref<8x128xf32, #tpu.memory_space<vmem>>) dst(%dma_wait3A_177 : memref<8x128xf32, #tpu.memory_space<hbm>>)
    %dma_wait3A_181 = arith.constant 199 : i32
    %dma_wait3A_182 = arith.constant 1 : i32
    %dma_wait3A_183 = arith.constant 8 : i32
    %dma_wait3A_184 = arith.constant 0 : i32
    %dma_wait3A_185 = tpu.memref_slice %arg11[%dma_wait3A_183, %dma_wait3A_184] : memref<64x129xf32, #tpu.memory_space<vmem>> -> memref<8x128xf32, #tpu.memory_space<vmem>>
    %dma_wait3A_186 = arith.constant 0 : i32
    %dma_wait3A_187 = arith.constant 0 : i32
    %dma_wait3A_188 = tpu.memref_slice %arg5[%dma_wait3A_181, %dma_wait3A_182, %add3A, %dma_wait3A_186, %dma_wait3A_187] : memref<200x8x32x8x128xf32, #tpu.memory_space<hbm>> -> memref<1x1x1x8x128xf32, #tpu.memory_space<hbm>>
    %dma_wait3A_189 = tpu.memref_squeeze %dma_wait3A_188 : memref<1x1x1x8x128xf32, #tpu.memory_space<hbm>> -> memref<8x128xf32, #tpu.memory_space<hbm>>
    %dma_wait3A_190 = arith.constant 0 : i32
    %dma_wait3A_191 = arith.constant 0 : i32
    %dma_wait3A_192 = tpu.memref_slice %arg5[%dma_wait3A_181, %dma_wait3A_182, %add3A, %dma_wait3A_190, %dma_wait3A_191] : memref<200x8x32x8x128xf32, #tpu.memory_space<hbm>> -> memref<1x1x1x8x128xf32, #tpu.memory_space<hbm>>
    %dma_wait3A_193 = tpu.memref_squeeze %dma_wait3A_192 : memref<1x1x1x8x128xf32, #tpu.memory_space<hbm>> -> memref<8x128xf32, #tpu.memory_space<hbm>>
    %dma_wait3A_194 = arith.constant 8 : i32
    %dma_wait3A_195 = arith.constant 0 : i32
    %dma_wait3A_196 = tpu.memref_slice %arg11[%dma_wait3A_194, %dma_wait3A_195] : memref<64x129xf32, #tpu.memory_space<vmem>> -> memref<8x128xf32, #tpu.memory_space<vmem>>
    tpu.wait_dma2 semaphore(%arg15 : memref<!tpu.dma_semaphore, #tpu.memory_space<semaphore_mem>>) src(%dma_wait3A_196 : memref<8x128xf32, #tpu.memory_space<vmem>>) dst(%dma_wait3A_193 : memref<8x128xf32, #tpu.memory_space<hbm>>)
    %dma_wait3A_197 = arith.constant 199 : i32
    %dma_wait3A_198 = arith.constant 2 : i32
    %dma_wait3A_199 = arith.constant 16 : i32
    %dma_wait3A_200 = arith.constant 0 : i32
    %dma_wait3A_201 = tpu.memref_slice %arg11[%dma_wait3A_199, %dma_wait3A_200] : memref<64x129xf32, #tpu.memory_space<vmem>> -> memref<8x128xf32, #tpu.memory_space<vmem>>
    %dma_wait3A_202 = arith.constant 0 : i32
    %dma_wait3A_203 = arith.constant 0 : i32
    %dma_wait3A_204 = tpu.memref_slice %arg5[%dma_wait3A_197, %dma_wait3A_198, %add3A, %dma_wait3A_202, %dma_wait3A_203] : memref<200x8x32x8x128xf32, #tpu.memory_space<hbm>> -> memref<1x1x1x8x128xf32, #tpu.memory_space<hbm>>
    %dma_wait3A_205 = tpu.memref_squeeze %dma_wait3A_204 : memref<1x1x1x8x128xf32, #tpu.memory_space<hbm>> -> memref<8x128xf32, #tpu.memory_space<hbm>>
    %dma_wait3A_206 = arith.constant 0 : i32
    %dma_wait3A_207 = arith.constant 0 : i32
    %dma_wait3A_208 = tpu.memref_slice %arg5[%dma_wait3A_197, %dma_wait3A_198, %add3A, %dma_wait3A_206, %dma_wait3A_207] : memref<200x8x32x8x128xf32, #tpu.memory_space<hbm>> -> memref<1x1x1x8x128xf32, #tpu.memory_space<hbm>>
    %dma_wait3A_209 = tpu.memref_squeeze %dma_wait3A_208 : memref<1x1x1x8x128xf32, #tpu.memory_space<hbm>> -> memref<8x128xf32, #tpu.memory_space<hbm>>
    %dma_wait3A_210 = arith.constant 16 : i32
    %dma_wait3A_211 = arith.constant 0 : i32
    %dma_wait3A_212 = tpu.memref_slice %arg11[%dma_wait3A_210, %dma_wait3A_211] : memref<64x129xf32, #tpu.memory_space<vmem>> -> memref<8x128xf32, #tpu.memory_space<vmem>>
    tpu.wait_dma2 semaphore(%arg15 : memref<!tpu.dma_semaphore, #tpu.memory_space<semaphore_mem>>) src(%dma_wait3A_212 : memref<8x128xf32, #tpu.memory_space<vmem>>) dst(%dma_wait3A_209 : memref<8x128xf32, #tpu.memory_space<hbm>>)
    %dma_wait3A_213 = arith.constant 199 : i32
    %dma_wait3A_214 = arith.constant 3 : i32
    %dma_wait3A_215 = arith.constant 24 : i32
    %dma_wait3A_216 = arith.constant 0 : i32
    %dma_wait3A_217 = tpu.memref_slice %arg11[%dma_wait3A_215, %dma_wait3A_216] : memref<64x129xf32, #tpu.memory_space<vmem>> -> memref<8x128xf32, #tpu.memory_space<vmem>>
    %dma_wait3A_218 = arith.constant 0 : i32
    %dma_wait3A_219 = arith.constant 0 : i32
    %dma_wait3A_220 = tpu.memref_slice %arg5[%dma_wait3A_213, %dma_wait3A_214, %add3A, %dma_wait3A_218, %dma_wait3A_219] : memref<200x8x32x8x128xf32, #tpu.memory_space<hbm>> -> memref<1x1x1x8x128xf32, #tpu.memory_space<hbm>>
    %dma_wait3A_221 = tpu.memref_squeeze %dma_wait3A_220 : memref<1x1x1x8x128xf32, #tpu.memory_space<hbm>> -> memref<8x128xf32, #tpu.memory_space<hbm>>
    %dma_wait3A_222 = arith.constant 0 : i32
    %dma_wait3A_223 = arith.constant 0 : i32
    %dma_wait3A_224 = tpu.memref_slice %arg5[%dma_wait3A_213, %dma_wait3A_214, %add3A, %dma_wait3A_222, %dma_wait3A_223] : memref<200x8x32x8x128xf32, #tpu.memory_space<hbm>> -> memref<1x1x1x8x128xf32, #tpu.memory_space<hbm>>
    %dma_wait3A_225 = tpu.memref_squeeze %dma_wait3A_224 : memref<1x1x1x8x128xf32, #tpu.memory_space<hbm>> -> memref<8x128xf32, #tpu.memory_space<hbm>>
    %dma_wait3A_226 = arith.constant 24 : i32
    %dma_wait3A_227 = arith.constant 0 : i32
    %dma_wait3A_228 = tpu.memref_slice %arg11[%dma_wait3A_226, %dma_wait3A_227] : memref<64x129xf32, #tpu.memory_space<vmem>> -> memref<8x128xf32, #tpu.memory_space<vmem>>
    tpu.wait_dma2 semaphore(%arg15 : memref<!tpu.dma_semaphore, #tpu.memory_space<semaphore_mem>>) src(%dma_wait3A_228 : memref<8x128xf32, #tpu.memory_space<vmem>>) dst(%dma_wait3A_225 : memref<8x128xf32, #tpu.memory_space<hbm>>)
    %dma_wait3A_229 = arith.constant 199 : i32
    %dma_wait3A_230 = arith.constant 4 : i32
    %dma_wait3A_231 = arith.constant 32 : i32
    %dma_wait3A_232 = arith.constant 0 : i32
    %dma_wait3A_233 = tpu.memref_slice %arg11[%dma_wait3A_231, %dma_wait3A_232] : memref<64x129xf32, #tpu.memory_space<vmem>> -> memref<8x128xf32, #tpu.memory_space<vmem>>
    %dma_wait3A_234 = arith.constant 0 : i32
    %dma_wait3A_235 = arith.constant 0 : i32
    %dma_wait3A_236 = tpu.memref_slice %arg5[%dma_wait3A_229, %dma_wait3A_230, %add3A, %dma_wait3A_234, %dma_wait3A_235] : memref<200x8x32x8x128xf32, #tpu.memory_space<hbm>> -> memref<1x1x1x8x128xf32, #tpu.memory_space<hbm>>
    %dma_wait3A_237 = tpu.memref_squeeze %dma_wait3A_236 : memref<1x1x1x8x128xf32, #tpu.memory_space<hbm>> -> memref<8x128xf32, #tpu.memory_space<hbm>>
    %dma_wait3A_238 = arith.constant 0 : i32
    %dma_wait3A_239 = arith.constant 0 : i32
    %dma_wait3A_240 = tpu.memref_slice %arg5[%dma_wait3A_229, %dma_wait3A_230, %add3A, %dma_wait3A_238, %dma_wait3A_239] : memref<200x8x32x8x128xf32, #tpu.memory_space<hbm>> -> memref<1x1x1x8x128xf32, #tpu.memory_space<hbm>>
    %dma_wait3A_241 = tpu.memref_squeeze %dma_wait3A_240 : memref<1x1x1x8x128xf32, #tpu.memory_space<hbm>> -> memref<8x128xf32, #tpu.memory_space<hbm>>
    %dma_wait3A_242 = arith.constant 32 : i32
    %dma_wait3A_243 = arith.constant 0 : i32
    %dma_wait3A_244 = tpu.memref_slice %arg11[%dma_wait3A_242, %dma_wait3A_243] : memref<64x129xf32, #tpu.memory_space<vmem>> -> memref<8x128xf32, #tpu.memory_space<vmem>>
    tpu.wait_dma2 semaphore(%arg15 : memref<!tpu.dma_semaphore, #tpu.memory_space<semaphore_mem>>) src(%dma_wait3A_244 : memref<8x128xf32, #tpu.memory_space<vmem>>) dst(%dma_wait3A_241 : memref<8x128xf32, #tpu.memory_space<hbm>>)
    %dma_wait3A_245 = arith.constant 199 : i32
    %dma_wait3A_246 = arith.constant 5 : i32
    %dma_wait3A_247 = arith.constant 40 : i32
    %dma_wait3A_248 = arith.constant 0 : i32
    %dma_wait3A_249 = tpu.memref_slice %arg11[%dma_wait3A_247, %dma_wait3A_248] : memref<64x129xf32, #tpu.memory_space<vmem>> -> memref<8x128xf32, #tpu.memory_space<vmem>>
    %dma_wait3A_250 = arith.constant 0 : i32
    %dma_wait3A_251 = arith.constant 0 : i32
    %dma_wait3A_252 = tpu.memref_slice %arg5[%dma_wait3A_245, %dma_wait3A_246, %add3A, %dma_wait3A_250, %dma_wait3A_251] : memref<200x8x32x8x128xf32, #tpu.memory_space<hbm>> -> memref<1x1x1x8x128xf32, #tpu.memory_space<hbm>>
    %dma_wait3A_253 = tpu.memref_squeeze %dma_wait3A_252 : memref<1x1x1x8x128xf32, #tpu.memory_space<hbm>> -> memref<8x128xf32, #tpu.memory_space<hbm>>
    %dma_wait3A_254 = arith.constant 0 : i32
    %dma_wait3A_255 = arith.constant 0 : i32
    %dma_wait3A_256 = tpu.memref_slice %arg5[%dma_wait3A_245, %dma_wait3A_246, %add3A, %dma_wait3A_254, %dma_wait3A_255] : memref<200x8x32x8x128xf32, #tpu.memory_space<hbm>> -> memref<1x1x1x8x128xf32, #tpu.memory_space<hbm>>
    %dma_wait3A_257 = tpu.memref_squeeze %dma_wait3A_256 : memref<1x1x1x8x128xf32, #tpu.memory_space<hbm>> -> memref<8x128xf32, #tpu.memory_space<hbm>>
    %dma_wait3A_258 = arith.constant 40 : i32
    %dma_wait3A_259 = arith.constant 0 : i32
    %dma_wait3A_260 = tpu.memref_slice %arg11[%dma_wait3A_258, %dma_wait3A_259] : memref<64x129xf32, #tpu.memory_space<vmem>> -> memref<8x128xf32, #tpu.memory_space<vmem>>
    tpu.wait_dma2 semaphore(%arg15 : memref<!tpu.dma_semaphore, #tpu.memory_space<semaphore_mem>>) src(%dma_wait3A_260 : memref<8x128xf32, #tpu.memory_space<vmem>>) dst(%dma_wait3A_257 : memref<8x128xf32, #tpu.memory_space<hbm>>)
    %dma_wait3A_261 = arith.constant 199 : i32
    %dma_wait3A_262 = arith.constant 6 : i32
    %dma_wait3A_263 = arith.constant 48 : i32
    %dma_wait3A_264 = arith.constant 0 : i32
    %dma_wait3A_265 = tpu.memref_slice %arg11[%dma_wait3A_263, %dma_wait3A_264] : memref<64x129xf32, #tpu.memory_space<vmem>> -> memref<8x128xf32, #tpu.memory_space<vmem>>
    %dma_wait3A_266 = arith.constant 0 : i32
    %dma_wait3A_267 = arith.constant 0 : i32
    %dma_wait3A_268 = tpu.memref_slice %arg5[%dma_wait3A_261, %dma_wait3A_262, %add3A, %dma_wait3A_266, %dma_wait3A_267] : memref<200x8x32x8x128xf32, #tpu.memory_space<hbm>> -> memref<1x1x1x8x128xf32, #tpu.memory_space<hbm>>
    %dma_wait3A_269 = tpu.memref_squeeze %dma_wait3A_268 : memref<1x1x1x8x128xf32, #tpu.memory_space<hbm>> -> memref<8x128xf32, #tpu.memory_space<hbm>>
    %dma_wait3A_270 = arith.constant 0 : i32
    %dma_wait3A_271 = arith.constant 0 : i32
    %dma_wait3A_272 = tpu.memref_slice %arg5[%dma_wait3A_261, %dma_wait3A_262, %add3A, %dma_wait3A_270, %dma_wait3A_271] : memref<200x8x32x8x128xf32, #tpu.memory_space<hbm>> -> memref<1x1x1x8x128xf32, #tpu.memory_space<hbm>>
    %dma_wait3A_273 = tpu.memref_squeeze %dma_wait3A_272 : memref<1x1x1x8x128xf32, #tpu.memory_space<hbm>> -> memref<8x128xf32, #tpu.memory_space<hbm>>
    %dma_wait3A_274 = arith.constant 48 : i32
    %dma_wait3A_275 = arith.constant 0 : i32
    %dma_wait3A_276 = tpu.memref_slice %arg11[%dma_wait3A_274, %dma_wait3A_275] : memref<64x129xf32, #tpu.memory_space<vmem>> -> memref<8x128xf32, #tpu.memory_space<vmem>>
    tpu.wait_dma2 semaphore(%arg15 : memref<!tpu.dma_semaphore, #tpu.memory_space<semaphore_mem>>) src(%dma_wait3A_276 : memref<8x128xf32, #tpu.memory_space<vmem>>) dst(%dma_wait3A_273 : memref<8x128xf32, #tpu.memory_space<hbm>>)
    %dma_wait3A_277 = arith.constant 199 : i32
    %dma_wait3A_278 = arith.constant 7 : i32
    %dma_wait3A_279 = arith.constant 56 : i32
    %dma_wait3A_280 = arith.constant 0 : i32
    %dma_wait3A_281 = tpu.memref_slice %arg11[%dma_wait3A_279, %dma_wait3A_280] : memref<64x129xf32, #tpu.memory_space<vmem>> -> memref<8x128xf32, #tpu.memory_space<vmem>>
    %dma_wait3A_282 = arith.constant 0 : i32
    %dma_wait3A_283 = arith.constant 0 : i32
    %dma_wait3A_284 = tpu.memref_slice %arg5[%dma_wait3A_277, %dma_wait3A_278, %add3A, %dma_wait3A_282, %dma_wait3A_283] : memref<200x8x32x8x128xf32, #tpu.memory_space<hbm>> -> memref<1x1x1x8x128xf32, #tpu.memory_space<hbm>>
    %dma_wait3A_285 = tpu.memref_squeeze %dma_wait3A_284 : memref<1x1x1x8x128xf32, #tpu.memory_space<hbm>> -> memref<8x128xf32, #tpu.memory_space<hbm>>
    %dma_wait3A_286 = arith.constant 0 : i32
    %dma_wait3A_287 = arith.constant 0 : i32
    %dma_wait3A_288 = tpu.memref_slice %arg5[%dma_wait3A_277, %dma_wait3A_278, %add3A, %dma_wait3A_286, %dma_wait3A_287] : memref<200x8x32x8x128xf32, #tpu.memory_space<hbm>> -> memref<1x1x1x8x128xf32, #tpu.memory_space<hbm>>
    %dma_wait3A_289 = tpu.memref_squeeze %dma_wait3A_288 : memref<1x1x1x8x128xf32, #tpu.memory_space<hbm>> -> memref<8x128xf32, #tpu.memory_space<hbm>>
    %dma_wait3A_290 = arith.constant 56 : i32
    %dma_wait3A_291 = arith.constant 0 : i32
    %dma_wait3A_292 = tpu.memref_slice %arg11[%dma_wait3A_290, %dma_wait3A_291] : memref<64x129xf32, #tpu.memory_space<vmem>> -> memref<8x128xf32, #tpu.memory_space<vmem>>
    tpu.wait_dma2 semaphore(%arg15 : memref<!tpu.dma_semaphore, #tpu.memory_space<semaphore_mem>>) src(%dma_wait3A_292 : memref<8x128xf32, #tpu.memory_space<vmem>>) dst(%dma_wait3A_289 : memref<8x128xf32, #tpu.memory_space<hbm>>)
    return
  }
}

</mosaic_0001>

<sc_bundles>
// kernel: _run.3.cloned.1.call-start
scs
__scs_entry_jumppad:
0x0: {  	(pc) =	sbr.rel $0x88, $3  }
0x1: {  	(tag) =	ssettag $0x0;
	lr =	simm.s32 $0x1  }
0x2: {  	[smem:$0x3F9E] =	sst lr;
	_ =	strace $0xD0000000  }
0x3: {  	_ = 	snop  }
0x4: {  	_ = 	snop  }
0x5: {  	_ = 	snop  }
0x6: {  	_ = 	snop  }
0x7: {  	_ = 	snop  }
__scs_overlays_trampoline_lowered:
0x8: {  	[smem:$0x3FAD] =	sst s0  }
0x9: {  	[smem:$0x3FAE] =	sst s1  }
0xa: {  	[smem:$0x3FAF] =	sst s2  }
0xb: {  	[smem:$0x3FB0] =	sst s3  }
0xc: {  	[smem:$0x3FB1] =	sst s4  }
0xd: {  	[smem:$0x3FB2] =	sst s5  }
0xe: {  	[smem:$0x3FB3] =	sst s6  }
0xf: {  	[smem:$0x3FB4] =	sst s7  }
0x10: {  	[smem:$0x3FB5] =	sst s8  }
0x11: {  	[smem:$0x3FB6] =	sst s9;
	s0 =	simm.s32 @!p0 $0x0  }
0x12: {  	s1 =	sld [smem:$0x3F9C];
	s0 =	simm.s32 @p0 $0x1  }
0x13: {  	[smem:$0x3FB7] =	sst s0;
	s0 =	simm.s32 @!p1 $0x0  }
0x14: {  	s2 =	sld [smem:$0x3F9B];
	s0 =	simm.s32 @p1 $0x1  }
0x15: {  	[smem:$0x3FB8] =	sst s0;
	s0 =	simm.s32 @!p2 $0x0  }
0x16: {  	s3 =	sld [smem:$0x3FDB];
	s0 =	simm.s32 @p2 $0x1  }
0x17: {  	s4 =	simm.s32 $0x1BF5;
	[smem:$0x3FBA] =	sst s0  }
0x18: {  	s0 =	sld [smem:$0x3F9D];
	_ =	swait.ge [sflag:s4], $0x0  }
0x19: {  	s7 =	sld [smem:$0x3F9E]  }
0x1a: {  	s8 =	sadd.s32 $0xFFFFE003, lr  }
0x1b: {  	s9 =	sadd.s32 $0xFFFFFEF7, lr;
	s5 =	simm.s32 $0xFFFFFFFF;
	p2 =	slt.u32 s8, $0xFFFFF086  }
0x1c: {  	p1 =	slt.u32 s9, $0xF7A;
	s5 =	simm.s32 @!p2 $0x0  }
0x1d: {  	s5 =	simm.s32 @p1 $0x1;
	p0 =	seq.s32 s7, s2  }
0x1e: {  	s7 =	smul.u32 @!p0 $0xF7A, s2;
	p2 =	seq.s32 @!p0 s5, $0x0  }
0x1f: {  	s9 =	smul.u32 $0xF7A, s1;
	s8 =	simm.s32 @!p0 $0x1BF5;
	p2 =	por !p2, p0  }
0x20: {  	[sflag:s8] =	ssyncset.s32 @!p0 $0xFFFFF086;
	s6 =	sadd.s32 @!p0 s3, s7;
	s7 =	simm.s32 @!p0 $0x108  }
0x21: {  	s3 =	sadd.s32 s3, s9;
	s6 =	sadd.s32 @!p0 $0x88, s6;
	s7 =	simm.s32 @p2 $0x1082  }
0x22: {  	[simem:s7], [sflag:s8] =	dma.local @!p0 [hbm:s6], $0xF7A  }
0x23: {  	s9 =	sor.u32 $0xD0000000, s2;
	s6 =	simm.s32 $0x108;
	_ =	swait.ge @!p0 [sflag:s8], $0x0  }
0x24: {  	s3 =	sadd.s32 $0x88, s3;
	s6 =	simm.s32 @!p1 $0x1082;
	[sflag:s4] =	ssyncset.s32 $0xFFFFF086  }
0x25: {  	[simem:s6], [sflag:s4] =	dma.local [hbm:s3], $0xF7A  }
0x26: {  	[smem:$0x3F9E] =	sst s1;
	(tag) =	ssettag s2;
	_ =	strace s9  }
0x27: {  	s1 =	sld [smem:$0x3FAE]  }
0x28: {  	s2 =	sld [smem:$0x3FAF]  }
0x29: {  	s4 =	sld [smem:$0x3FB1]  }
0x2a: {  	p0 =	seq.s32 s5, $0x0;
	s5 =	sld [smem:$0x3FB2]  }
0x2b: {  	s6 =	sld [smem:$0x3FB3]  }
0x2c: {  	s7 =	sld [smem:$0x3FB4]  }
0x2d: {  	s3 =	simm.s32 $0x108;
	s8 =	sld [smem:$0x3FB5]  }
0x2e: {  	s3 =	simm.s32 @!p0 $0x1082;
	s9 =	sld [smem:$0x3FB6]  }
0x2f: {  	lr =	sadd.s32 s0, s3;
	s0 =	sld [smem:$0x3FAD]  }
0x30: {  	s3 =	sld [smem:$0x3FB0]  }
0x31: {  	[smem:$0x3FB9] =	sst s10  }
0x32: {  	s10 =	sld [smem:$0x3FB7];
	_ =	sdelay $0x3  }
0x33: {  	p0 =	seq.s32 s10, $0x1;
	s10 =	sld [smem:$0x3FB9];
	_ =	sdelay $0x3  }
0x34: {  	[smem:$0x3FB9] =	sst s10  }
0x35: {  	s10 =	sld [smem:$0x3FB8];
	_ =	sdelay $0x3  }
0x36: {  	p1 =	seq.s32 s10, $0x1;
	s10 =	sld [smem:$0x3FB9];
	_ =	sdelay $0x3  }
0x37: {  	[smem:$0x3FB9] =	sst s10  }
0x38: {  	s10 =	sld [smem:$0x3FBA]  }
0x39: {  	_ = 	snop;
	(pc) =	sbr.ind lr, $3  }
0x3a: {  	_ = 	snop  }
0x3b: {  	_ = 	snop  }
0x3c: {  	p2 =	seq.s32 s10, $0x1;
	s10 =	sld [smem:$0x3FB9]  }
0x3d: {  	_ =	shalt  }
0x3e: {  	_ =	shalt  }
0x3f: {  	_ =	shalt  }
0x40: {  	_ =	shalt  }
0x41: {  	_ =	shalt  }
0x42: {  	_ =	shalt  }
0x43: {  	_ =	shalt  }
0x44: {  	_ =	shalt  }
0x45: {  	_ =	shalt  }
0x46: {  	_ =	shalt  }
0x47: {  	_ =	shalt  }
0x48: {  	_ =	shalt  }
0x49: {  	_ =	shalt  }
0x4a: {  	_ =	shalt  }
0x4b: {  	_ =	shalt  }
0x4c: {  	_ =	shalt  }
0x4d: {  	_ =	shalt  }
0x4e: {  	_ =	shalt  }
0x4f: {  	_ =	shalt  }
0x50: {  	_ =	shalt  }
0x51: {  	_ =	shalt  }
0x52: {  	_ =	shalt  }
0x53: {  	_ =	shalt  }
0x54: {  	_ =	shalt  }
0x55: {  	_ =	shalt  }
0x56: {  	_ =	shalt  }
0x57: {  	_ =	shalt  }
0x58: {  	_ =	shalt  }
0x59: {  	_ =	shalt  }
0x5a: {  	_ =	shalt  }
0x5b: {  	_ =	shalt  }
0x5c: {  	_ =	shalt  }
0x5d: {  	_ =	shalt  }
0x5e: {  	_ =	shalt  }
0x5f: {  	_ =	shalt  }
0x60: {  	_ =	shalt  }
0x61: {  	_ =	shalt  }
0x62: {  	_ =	shalt  }
0x63: {  	_ =	shalt  }
0x64: {  	_ =	shalt  }
0x65: {  	_ =	shalt  }
0x66: {  	_ =	shalt  }
0x67: {  	_ =	shalt  }
0x68: {  	_ =	shalt  }
0x69: {  	_ =	shalt  }
0x6a: {  	_ =	shalt  }
0x6b: {  	_ =	shalt  }
0x6c: {  	_ =	shalt  }
0x6d: {  	_ =	shalt  }
0x6e: {  	_ =	shalt  }
0x6f: {  	_ =	shalt  }
0x70: {  	_ =	shalt  }
0x71: {  	_ =	shalt  }
0x72: {  	_ =	shalt  }
0x73: {  	_ =	shalt  }
0x74: {  	_ =	shalt  }
0x75: {  	_ =	shalt  }
0x76: {  	_ =	shalt  }
0x77: {  	_ =	shalt  }
0x78: {  	_ =	shalt  }
0x79: {  	_ =	shalt  }
0x7a: {  	_ =	shalt  }
0x7b: {  	_ =	shalt  }
0x7c: {  	_ =	shalt  }
0x7d: {  	_ =	shalt  }
0x7e: {  	_ =	shalt  }
0x7f: {  	_ =	shalt  }
0x80: {  	_ =	shalt  }
0x81: {  	_ =	shalt  }
0x82: {  	_ =	shalt  }
0x83: {  	_ =	shalt  }
0x84: {  	_ =	shalt  }
0x85: {  	_ =	shalt  }
0x86: {  	_ =	shalt  }
0x87: {  	_ =	shalt  }
.Lfunc_end0:
.L_simem_size_0:
called_computation_lowered:
.L_overlay_start_0:
0x88: {  	s2 =	sld [smem:$0x3FD9]  }
0x89: {  	s3 =	sld [smem:$0x3FFE];
	_ =	sdelay $0x1  }
0x8a: {  	s1 =	srdreg.scid  }
0x8b: {  	s0 =	sand.u32 $0x1, s1  }
0x8c: {  	s17 =	sshll.u32 s0, $0xA;
	s2 =	sadd.s32 s3, s2  }
0x8d: {  	s2 =	sadd.s32 s2, s17  }
0x8e: {  	[smem:$0x3FC5] =	sst s2  }
0x8f: {  	_ = 	snop  }
0x90: {  	s2 =	sld [smem:$0x3FC9]  }
0x91: {  	s18 =	sld [smem:$0x3FC7]  }
0x92: {  	s4 =	sld [smem:$0x3FD0];
	(tm) =	ssettm $0x1  }
0x93: {  	s5 =	sld [smem:$0x3FFB];
	_ =	sdelay $0x3  }
0x94: {  	_ =	strace s5  }
0x95: {  	s5 =	sld [smem:$0x3FFC];
	_ =	sdelay $0x3  }
0x96: {  	_ =	strace s5  }
0x97: {  	s5 =	sld [smem:$0x3FFD];
	_ =	sdelay $0x3  }
0x98: {  	_ =	strace s5  }
0x99: {  	_ =	strace $0x8FFFFFFF  }
0x9a: {  	s19 =	sld [smem:$0x3FDB];
	_ =	sdelay $0x1  }
0x9b: {  	s6 =	simm.s32 $_scs_section_size  }
0x9c: {  	s7 =	simm.s32 $_size__tile_overlayer_lowered;
	s8 =	simm.s32 $_tile_overlayer_lowered  }
0x9d: {  	s22 =	simm.s32 $0x1BFF;
	s21 =	sshll.u32 s8, $0x1;
	s5 =	sadd.s32 s6, s19  }
0x9e: {  	s9 =	simm.s32 $0x0;
	s20 =	sshll.u32 s7, $0x1;
	s7 =	sadd.s32 s21, s5  }
0x9f: {  	[timem:s9], [sflag:s22] =	dma.local [hbm:s7], s20  }
0xa0: {  	_ =	swait.ge [sflag:s22], s20  }
0xa1: {  	s6 =	ssub.s32 $0x0, s20;
	[sflag:s22] =	ssyncset.done $0x0  }
0xa2: {  	[sflag:s22] =	ssyncadd.s32 s6;
	_ =	sdelay $0x1  }
0xa3: {  	s23 =	simm.s32 $0x1B8B  }
0xa4: {  	_ =	swait.ge [sflag:s23], $0x1  }
0xa5: {  	[sflag:s23] =	ssyncset.done $0x0  }
0xa6: {  	s25 =	simm.s32 $0x1B8E;
	s24 =	sld [smem:$0x3FFE];
	[sflag:s23] =	ssyncadd.s32 $0xFFFFFFFF  }
0xa7: {  	s26 =	simm.s32 $execute0_lowered;
	[smem:$0x3FD2] =	sst s25  }
0xa8: {  	s7 =	sshll.u32 s26, $0x1;
	_ =	strace $0x80000046;
	[dreg:$0x1] =	wrdreg $0xFFFFFFFF  }
0xa9: {  	s28 =	simm.s32 $_size_execute0_lowered;
	s5 =	sadd.s32 s5, s7;
	[dreg:$0x0] =	wrdreg $0x0  }
0xaa: {  	s7 =	sshll.u32 s28, $0x1;
	[dreg:$0x2] =	wrdreg s5  }
0xab: {  	[dreg:$0x3] =	wrdreg s7  }
0xac: {  	[dreg:$0x4] =	wrdreg $0xC0  }
0xad: {  	_ =	task [dreg:s9], $0x5FFFF  }
0xae: {  	[dreg:$0x1] =	wrdreg $0xFFFFFFFF  }
0xaf: {  	[dreg:$0x0] =	wrdreg $0x60  }
0xb0: {  	[dreg:$0x2] =	wrdreg s2  }
0xb1: {  	[dreg:$0x3] =	wrdreg s24  }
0xb2: {  	[dreg:$0x4] =	wrdreg s18  }
0xb3: {  	[dreg:$0x5] =	wrdreg s4  }
0xb4: {  	[dreg:$0x6] =	wrdreg $0x9  }
0xb5: {  	_ =	task.clear_ibuf [dreg:s9], $0x7FFFF;
	_ =	strace $0x90000046  }
0xb6: {  	s29 =	simm.s32 $0x9;
	_ =	strace $0x80000048  }
0xb7: {  	_ =	swait.ge [sflag:s29], $0x1  }
0xb8: {  	[sflag:s29] =	ssyncadd.s32 $0xFFFFFFFF  }
0xb9: {  	_ =	strace $0x90000048  }
0xba: {  	_ =	sfence  }
0xbb: {  	s30 =	sld [smem:$0x0];
	_ =	sdelay $0x2  }
0xbc: {  	s31 =	sshll.u32 s1, $0xD;
	s1 =	sshrl.u32 s1, $0x2  }
0xbd: {  	s3 =	sand.u32 $0x4000, s31;
	s1 =	sadd.s32 s1, s30  }
0xbe: {  	s0 =	sor.u32 s3, s0;
	s1 =	sshll.u32 s1, $0x11  }
0xbf: {  	s0 =	sor.u32 s1, s0  }
0xc0: {  	s0 =	sadd.s32 $0x8F2B, s0  }
0xc1: {  	[sflag:s0] =	ssyncadd.remote.s32 $0x1  }
0xc2: {  	_ =	sfence.sel $0xFFFF  }
0xc3: {  	[dreg:$0x0] =	wrdreg $0xFFFFFFFF;
	(pc) =	sbr.abs _section_cstart, $3  }
0xc4: {  	[dreg:$0x1] =	wrdreg $0xFFFFFFFF  }
0xc5: {  	_ =	task.clear_ibuf [dreg:s9], $0x2FFFF;
	_ =	strace $0x9FFFFFFF  }
0xc6: {  	(tm) =	ssettm $0x7FFFFFFF  }
0xc7: {  	_ =	shalt  }
tec
execute0_lowered:
.L_overlay_start_1:
0x0: {  	(tag) =	ssettag $0x1  }
0x1: {  	s0 =	rddreg [dreg:$0x0]  }
0x2: {  	s1 =	rddreg [dreg:$0x1];
	s2 =	srdreg.scid  }
0x3: {  	s4 =	stileid.u32;
	s3 =	rddreg [dreg:$0x3]  }
0x4: {  	s18 =	simm.s32 $0x80;
	s21 =	simm.s32 $0x1;
	s22 =	simm.s32 $0xD600  }
0x5: {  	s15 =	simm.s32 $0x4;
	s16 =	simm.s32 $0xF800;
	s25 =	simm.s32 $0x11868  }
0x6: {  	s26 =	simm.s32 $0x118F0;
	s28 =	simm.s32 $0x11978;
	s2 =	sand.u32 $0x1, s2  }
0x7: {  	s5 =	sshll.u32 s4, $0x1;
	s4 =	simm.s32 $0x0;
	s9 =	sadd.s32 $0x2000, s3  }
0x8: {  	s10 =	sadd.s32 $0x3000, s3;
	s11 =	sadd.s32 $0x4000, s3;
	s12 =	sadd.s32 $0x5000, s3  }
0x9: {  	s13 =	sadd.s32 $0x6000, s3;
	s14 =	sadd.s32 $0x7000, s3;
	s6 =	sor.u32 s2, s5  }
0xa: {  	[smem:$0x7FF] =	sst s4;
	s2 =	ssub.s32 $0x2, s2;
	s7 =	smul.u32 $0xC80, s6  }
0xb: {  	v0 =	vlaneseq.u32;
	s5 =	sadd.s32 $0xF42800, s1;
	s1 =	simm.s32 $0x0;
	s8 =	sshrl.u32 s2, $0x1  }
0xc: {  	v0 =	vmul.u32 $0x88, v0;
	_ =	strace $0x80000047;
	s30 =	ssub.s32 s2, s8;
	s0 =	sadd.s32 s0, s7  }
0xd: {  	s8 =	sadd.s32 $0x1000, s3;
	s31 =	smax.u32 s30, $0x1;
	[dreg:$0x5] =	wrdreg s0  }
0xe: {  	v1 =	vadd.s32 $0x880, v0;
	v2 =	vadd.s32 $0x1100, v0;
	v3 =	vadd.s32 $0x1980, v0;
	s7 =	sshll.u32 s6, $0xA;
	s6 =	simm.s32 $0x2;
	[dreg:$0x6] =	wrdreg s31  }
.LBB2_1:
0xf: {  	[dreg:$0x7] =	wrdreg s1  }
0x10: {  	s0 =	rddreg [dreg:$0x5];
	s24 =	simm.s32 $0x5  }
0x11: {  	[tilespmem:s4], [sflag:$0x5] =	stream.linear.gather [hbm4b:s0+s4], $0x6400, $0x38;
	[tilespmem:$0x11A00] =	vst v63  }
0x12: {  	_ =	swait.ge [sflag:s24], $0x6400  }
0x13: {  	[sflag:s24] =	ssyncset.done $0x0  }
0x14: {  	[sflag:s24] =	ssyncadd.s32 $0xFFFF9C00  }
0x15: {  	s2 =	simm.s32 $0x6400;
	s30 =	rddreg [dreg:$0x2]  }
0x16: {  	[tilespmem:s2], [sflag:$0x5] =	stream.linear.gather [hbm4b:s30+s4], $0x3200, $0x38;
	[tilespmem:$0x11A00] =	vst v63  }
0x17: {  	_ =	swait.ge [sflag:s24], $0x3200  }
0x18: {  	[sflag:s24] =	ssyncset.done $0x0  }
0x19: {  	s31 =	simm.s32 $0x9600;
	s29 =	simm.s32 $0x0;
	[sflag:s24] =	ssyncadd.s32 $0xFFFFCE00  }
0x1a: {  	[tilespmem:s31], [sflag:$0x1] =	stream.indirect.gather [hbm4b:s5+s18], $0x40, s4, s18, $0xb8;
	[tilespmem:$0x11A00] =	vst v63  }
.LBB2_2:
0x1b: {  	s30 =	sshllo.u32 s29, $0x1  }
0x1c: {  	s1 =	sshll.u32 s29, $0x8;
	s0 =	sshll.u32 s30, $0x7  }
0x1d: {  	s1 =	sand.u32 $0x7C00, s1;
	s0 =	sand.u32 $0x380, s0  }
0x1e: {  	s19 =	simm.s32 $0xB600;
	s0 =	sor.u32 s0, s1  }
0x1f: {  	[tilespmem:s19], [sflag:$0x2] =	stream.indirect.gather [hbm4b:s5+s18], $0x40, s0, s18, $0xb8;
	[tilespmem:$0x11A00] =	vst v63  }
0x20: {  	_ =	swait.ge [sflag:s21], $0x2000  }
0x21: {  	p0 =	seq.s32 s29, $0x0;
	[sflag:s21] =	ssyncset.done $0x0  }
0x22: {  	s0 =	simm.s32 @!p0 $0x3;
	[sflag:s21] =	ssyncadd.s32 $0xFFFFE000  }
0x23: {  	_ =	swait.ge @!p0 [sflag:s0], $0x400  }
0x24: {  	[sflag:s0] =	ssyncset.done @!p0 $0x0  }
0x25: {  	[sflag:s0] =	ssyncadd.s32 @!p0 $0xFFFFFC00  }
0x26: {  	_ =	swait.ge @!p0 [sflag:s0], $0x400  }
0x27: {  	[sflag:s0] =	ssyncset.done @!p0 $0x0  }
0x28: {  	[sflag:s0] =	ssyncadd.s32 @!p0 $0xFFFFFC00  }
0x29: {  	_ =	swait.ge @!p0 [sflag:s0], $0x400  }
0x2a: {  	[sflag:s0] =	ssyncset.done @!p0 $0x0  }
0x2b: {  	[sflag:s0] =	ssyncadd.s32 @!p0 $0xFFFFFC00  }
0x2c: {  	_ =	swait.ge @!p0 [sflag:s0], $0x400  }
0x2d: {  	[sflag:s0] =	ssyncset.done @!p0 $0x0  }
0x2e: {  	[sflag:s0] =	ssyncadd.s32 @!p0 $0xFFFFFC00  }
0x2f: {  	_ =	swait.ge @!p0 [sflag:s0], $0x400  }
0x30: {  	[sflag:s0] =	ssyncset.done @!p0 $0x0  }
0x31: {  	[sflag:s0] =	ssyncadd.s32 @!p0 $0xFFFFFC00  }
0x32: {  	_ =	swait.ge @!p0 [sflag:s0], $0x400  }
0x33: {  	[sflag:s0] =	ssyncset.done @!p0 $0x0  }
0x34: {  	[sflag:s0] =	ssyncadd.s32 @!p0 $0xFFFFFC00  }
0x35: {  	_ =	swait.ge @!p0 [sflag:s0], $0x400  }
0x36: {  	[sflag:s0] =	ssyncset.done @!p0 $0x0  }
0x37: {  	[sflag:s0] =	ssyncadd.s32 @!p0 $0xFFFFFC00  }
0x38: {  	_ =	swait.ge @!p0 [sflag:s0], $0x400  }
0x39: {  	s20 =	sshll.u32 s29, $0x7;
	[sflag:s0] =	ssyncset.done @!p0 $0x0  }
0x3a: {  	s23 =	sand.u32 $0x3FFFFF80, s20;
	[sflag:s0] =	ssyncadd.s32 @!p0 $0xFFFFFC00  }
0x3b: {  	s17 =	simm.s32 $0x9640;
	s24 =	simm.s32 $0x1;
	v9 =	vld [tilespmem:s23+$0x6400]  }
0x3c: {  	v4 =	vmov s24;
	v6 =	vld [tilespmem:s17+$0x0]  }
0x3d: {  	v14 =	vand.u32 $0x7F, v4  }
0x3e: {  	v8 =	vadd.s32 v0, v14  }
0x3f: {  	s2 =	simm.s32 $0x0;
	v7 =	vld [tilespmem:s23+$0x6410]  }
0x40: {  	v4 =	vmov s2;
	v10 =	vld [tilespmem:s17+$0xFFFFFFC0]  }
0x41: {  	v18 =	vand.u32 $0x7E, v4;
	v5 =	vld [tilespmem:s23+$0x6420];
	v6 =	vadd.f32 v6, v9  }
0x42: {  	s1 =	simm.s32 $0x96C0;
	v11 =	vadd.s32 v0, v18;
	s19 =	simm.s32 $0x3;
	v4 =	vld [tilespmem:s23+$0x6430]  }
0x43: {  	v12 =	vld [tilespmem:s1+$0x0];
	[tilespmem:v8+s22+$0x0] =	vst.idx.msk $0xffff, v6;
	v6 =	vmov s19  }
0x44: {  	v6 =	vand.u32 $0x7F, v6;
	v13 =	vld [tilespmem:s17+$0x10]  }
0x45: {  	v8 =	vadd.f32 v10, v9;
	v10 =	vadd.s32 v0, v6  }
0x46: {  	s20 =	simm.s32 $0x2;
	v15 =	vadd.s32 v1, v14  }
0x47: {  	[tilespmem:v11+s22+$0x0] =	vst.idx.msk $0xffff, v8;
	v8 =	vmov s20;
	v11 =	vld [tilespmem:s1+$0xFFFFFFC0]  }
0x48: {  	v12 =	vadd.f32 v12, v9;
	v8 =	vand.u32 $0x7E, v8;
	v16 =	vld [tilespmem:s17+$0xFFFFFFD0]  }
0x49: {  	s2 =	simm.s32 $0x5;
	s0 =	simm.s32 $0x9740;
	v17 =	vadd.s32 v0, v8;
	v13 =	vadd.f32 v13, v7  }
0x4a: {  	v19 =	vld [tilespmem:s0+$0x0];
	[tilespmem:v10+s22+$0x0] =	vst.idx.msk $0xffff, v12;
	v12 =	vadd.s32 v1, v18;
	v10 =	vmov s2  }
0x4b: {  	[tilespmem:v15+s22+$0x0] =	vst.idx.msk $0xffff, v13;
	v10 =	vand.u32 $0x7F, v10;
	v13 =	vld [tilespmem:s1+$0x10]  }
0x4c: {  	v11 =	vadd.f32 v11, v9;
	v15 =	vadd.s32 v0, v10;
	v20 =	vld [tilespmem:s17+$0x20]  }
0x4d: {  	s23 =	simm.s32 $0x4;
	v21 =	vadd.s32 v1, v6;
	v16 =	vadd.f32 v16, v7  }
0x4e: {  	v22 =	vadd.s32 v2, v14;
	[tilespmem:v17+s22+$0x0] =	vst.idx.msk $0xffff, v11;
	v11 =	vmov s23;
	v17 =	vld [tilespmem:s0+$0xFFFFFFC0]  }
0x4f: {  	v11 =	vand.u32 $0x7E, v11;
	[tilespmem:v12+s22+$0x0] =	vst.idx.msk $0xffff, v16;
	v12 =	vadd.f32 v19, v9;
	v16 =	vld [tilespmem:s1+$0xFFFFFFD0]  }
0x50: {  	s19 =	simm.s32 $0x7;
	s2 =	simm.s32 $0x97C0;
	v19 =	vadd.s32 v0, v11;
	v13 =	vadd.f32 v13, v7;
	v23 =	vld [tilespmem:s17+$0xFFFFFFE0]  }
0x51: {  	v24 =	vld [tilespmem:s2+$0x0];
	[tilespmem:v15+s22+$0x0] =	vst.idx.msk $0xffff, v12;
	v15 =	vadd.s32 v1, v8;
	v20 =	vadd.f32 v20, v5;
	v12 =	vmov s19  }
0x52: {  	[tilespmem:v21+s22+$0x0] =	vst.idx.msk $0xffff, v13;
	v21 =	vadd.s32 v2, v18;
	v12 =	vand.u32 $0x7F, v12;
	v25 =	vld [tilespmem:s0+$0x10]  }
0x53: {  	v13 =	vadd.f32 v17, v9;
	[tilespmem:v22+s22+$0x0] =	vst.idx.msk $0xffff, v20;
	v17 =	vadd.s32 v0, v12;
	v20 =	vld [tilespmem:s1+$0x20]  }
0x54: {  	s24 =	simm.s32 $0x6;
	v26 =	vadd.s32 v1, v10;
	v16 =	vadd.f32 v16, v7;
	v27 =	vld [tilespmem:s17+$0x30]  }
0x55: {  	v28 =	vadd.s32 v2, v6;
	[tilespmem:v19+s22+$0x0] =	vst.idx.msk $0xffff, v13;
	v13 =	vmov s24;
	v19 =	vadd.f32 v23, v5;
	v23 =	vld [tilespmem:s2+$0xFFFFFFC0]  }
0x56: {  	v30 =	vadd.s32 v3, v14;
	v13 =	vand.u32 $0x7E, v13;
	v29 =	vld [tilespmem:s0+$0xFFFFFFD0];
	[tilespmem:v15+s22+$0x0] =	vst.idx.msk $0xffff, v16;
	v16 =	vadd.f32 v24, v9  }
0x57: {  	[tilespmem:v21+s22+$0x0] =	vst.idx.msk $0xffff, v19;
	v21 =	vadd.s32 v0, v13;
	v14 =	vadd.f32 v25, v7;
	v15 =	vld [tilespmem:s1+$0xFFFFFFE0]  }
0x58: {  	s20 =	simm.s32 $0x9;
	s19 =	simm.s32 $0x9840;
	v19 =	vadd.s32 v1, v11;
	[tilespmem:v17+s22+$0x0] =	vst.idx.msk $0xffff, v16;
	v20 =	vadd.f32 v20, v5;
	v16 =	vld [tilespmem:s17+$0xFFFFFFF0]  }
0x59: {  	v22 =	vld [tilespmem:s19+$0x0];
	v24 =	vmov s20;
	v17 =	vadd.s32 v2, v8;
	[tilespmem:v26+s22+$0x0] =	vst.idx.msk $0xffff, v14;
	v27 =	vadd.f32 v27, v4  }
0x5a: {  	s31 =	sshll.u32 s29, $0x1;
	v18 =	vadd.s32 v3, v18;
	v14 =	vand.u32 $0x7F, v24;
	v26 =	vadd.f32 v23, v9;
	v23 =	vld [tilespmem:s2+$0x10];
	[tilespmem:v28+s22+$0x0] =	vst.idx.msk $0xffff, v20  }
0x5b: {  	s23 =	simm.s32 $0x8;
	s20 =	simm.s32 $0xA;
	s17 =	simm.s32 $0x9840;
	v24 =	vadd.s32 v0, v14;
	v25 =	vadd.f32 v29, v7;
	v20 =	vld [tilespmem:s0+$0x20];
	[tilespmem:v30+s22+$0x0] =	vst.idx.msk $0xffff, v27  }
.LBB2_3:
0x5c: {  	p1 =	slt.u32 s20, $0x7E;
	[tilespmem:v21+s22+$0x0] =	vst.idx.msk $0xffff, v26;
	v26 =	vadd.s32 v1, v12;
	v15 =	vadd.f32 v15, v5;
	v27 =	vld [tilespmem:s1+$0x30];
	v28 =	vmov v11  }
0x5d: {  	v21 =	vmov s23;
	v11 =	vmovc v13;
	s23 =	smov.u32 s20;
	v29 =	vld [tilespmem:s19+$0xFFFFFFC0];
	[tilespmem:v19+s22+$0x0] =	vst.idx.msk $0xffff, v25;
	v25 =	vadd.s32 v2, v10;
	v16 =	vadd.f32 v16, v4  }
0x5e: {  	v31 =	vadd.s32 v3, v6;
	v13 =	vand.u32 $0x7E, v21;
	v19 =	vadd.f32 v22, v9;
	v30 =	vld [tilespmem:s2+$0xFFFFFFD0];
	[tilespmem:v17+s22+$0x0] =	vst.idx.msk $0xffff, v15  }
.Ltmp0:
0x5f: {  	v6 =	vmov v10;
	v21 =	vadd.s32 v0, v13;
	v17 =	vadd.f32 v23, v7;
	v15 =	vld [tilespmem:s0+$0xFFFFFFE0];
	[tilespmem:v18+s22+$0x0] =	vst.idx.msk $0xffff, v16;
	(pc) =	sbr.rel @p1 .LBB2_3-.Ltmp0, $4  }
0x60: {  	s24 =	sadd.s32 $0x1, s20;
	s19 =	sadd.s32 $0x80, s19;
	v10 =	vmov v12;
	[tilespmem:v24+s22+$0x0] =	vst.idx.msk $0xffff, v19;
	v19 =	vadd.s32 v1, v11;
	v18 =	vadd.f32 v20, v5;
	v16 =	vld [tilespmem:s1+$0xFFFFFFF0];
	s1 =	smov.u32 s0  }
0x61: {  	v12 =	vmovc v14;
	v20 =	vmov s24;
	s0 =	smov.u32 s2;
	s2 =	smov.u32 s17;
	s17 =	smov.u32 s19;
	v22 =	vld [tilespmem:s19+$0x0];
	[tilespmem:v26+s22+$0x0] =	vst.idx.msk $0xffff, v17;
	v17 =	vadd.s32 v2, v28;
	v27 =	vadd.f32 v27, v4  }
0x62: {  	v14 =	vand.u32 $0x7F, v20;
	v26 =	vadd.f32 v29, v9;
	v23 =	vld [tilespmem:s2+$0x10];
	[tilespmem:v25+s22+$0x0] =	vst.idx.msk $0xffff, v18;
	v18 =	vadd.s32 v3, v8  }
0x63: {  	s20 =	sadd.s32 $0x2, s20;
	v24 =	vadd.s32 v0, v14;
	v8 =	vmov v28;
	v25 =	vadd.f32 v30, v7;
	v20 =	vld [tilespmem:s0+$0x20];
	[tilespmem:v31+s22+$0x0] =	vst.idx.msk $0xffff, v27  }
0x64: {  	v27 =	vmov s23;
	v28 =	vld [tilespmem:s19+$0xFFFFFFC0]  }
0x65: {  	v27 =	vand.u32 $0x7E, v27  }
0x66: {  	v29 =	vadd.s32 v0, v27;
	_ =	sdelay $0x1  }
0x67: {  	v22 =	vadd.f32 v22, v9  }
0x68: {  	[tilespmem:v21+s22+$0x0] =	vst.idx.msk $0xffff, v26;
	v57 =	vadd.f32 v28, v9  }
0x69: {  	v21 =	vld [tilespmem:s2+$0xFFFFFFD0];
	[tilespmem:v24+s22+$0x0] =	vst.idx.msk $0xffff, v22  }
0x6a: {  	v58 =	vadd.s32 v1, v12;
	v24 =	vld [tilespmem:s17+$0x10];
	[tilespmem:v29+s22+$0x0] =	vst.idx.msk $0xffff, v57  }
0x6b: {  	v59 =	vadd.s32 v1, v13;
	v60 =	vld [tilespmem:s17+$0xFFFFFFD0]  }
0x6c: {  	v61 =	vadd.s32 v1, v14  }
0x6d: {  	v62 =	vadd.s32 v1, v27;
	v23 =	vadd.f32 v23, v7  }
0x6e: {  	[tilespmem:v19+s22+$0x0] =	vst.idx.msk $0xffff, v25;
	v63 =	vadd.f32 v21, v7  }
0x6f: {  	v30 =	vld [tilespmem:s0+$0xFFFFFFE0];
	[tilespmem:v58+s22+$0x0] =	vst.idx.msk $0xffff, v23;
	v31 =	vadd.f32 v24, v7  }
0x70: {  	v32 =	vadd.s32 v2, v10;
	v33 =	vld [tilespmem:s2+$0x20];
	[tilespmem:v59+s22+$0x0] =	vst.idx.msk $0xffff, v63;
	v34 =	vadd.f32 v60, v7  }
0x71: {  	v35 =	vadd.f32 v15, v5;
	v36 =	vadd.s32 v2, v11;
	v19 =	vld [tilespmem:s2+$0xFFFFFFE0];
	[tilespmem:v61+s22+$0x0] =	vst.idx.msk $0xffff, v31  }
0x72: {  	v37 =	vadd.s32 v2, v12;
	v16 =	vadd.f32 v16, v4;
	v38 =	vld [tilespmem:s17+$0x20];
	[tilespmem:v62+s22+$0x0] =	vst.idx.msk $0xffff, v34  }
0x73: {  	v40 =	vadd.s32 v2, v13;
	[tilespmem:v17+s22+$0x0] =	vst.idx.msk $0xffff, v35;
	v39 =	vadd.f32 v20, v5;
	v41 =	vld [tilespmem:s17+$0xFFFFFFE0]  }
0x74: {  	v42 =	vld [tilespmem:s1+$0x30];
	v44 =	vadd.s32 v2, v14;
	[tilespmem:v18+s22+$0x0] =	vst.idx.msk $0xffff, v16;
	v43 =	vadd.f32 v30, v5  }
0x75: {  	v47 =	vadd.s32 v2, v27;
	v45 =	vld [tilespmem:s1+$0xFFFFFFF0];
	[tilespmem:v32+s22+$0x0] =	vst.idx.msk $0xffff, v39;
	v46 =	vadd.f32 v33, v5  }
0x76: {  	v6 =	vadd.s32 v3, v6;
	v48 =	vld [tilespmem:s0+$0x30];
	[tilespmem:v36+s22+$0x0] =	vst.idx.msk $0xffff, v43;
	v49 =	vadd.f32 v19, v5  }
0x77: {  	v8 =	vadd.s32 v3, v8;
	v16 =	vld [tilespmem:s0+$0xFFFFFFF0];
	[tilespmem:v37+s22+$0x0] =	vst.idx.msk $0xffff, v46;
	v50 =	vadd.f32 v38, v5  }
0x78: {  	v51 =	vadd.s32 v3, v10;
	v52 =	vld [tilespmem:s2+$0x30];
	[tilespmem:v40+s22+$0x0] =	vst.idx.msk $0xffff, v49;
	v5 =	vadd.f32 v41, v5  }
0x79: {  	v54 =	vadd.s32 v3, v11;
	v53 =	vadd.f32 v42, v4;
	v15 =	vld [tilespmem:s2+$0xFFFFFFF0];
	[tilespmem:v44+s22+$0x0] =	vst.idx.msk $0xffff, v50  }
0x7a: {  	v56 =	vadd.s32 v3, v12;
	v55 =	vadd.f32 v45, v4;
	v57 =	vld [tilespmem:s17+$0x30];
	[tilespmem:v47+s22+$0x0] =	vst.idx.msk $0xffff, v5  }
0x7b: {  	v58 =	vadd.s32 v3, v13;
	[tilespmem:v6+s22+$0x0] =	vst.idx.msk $0xffff, v53;
	v5 =	vadd.f32 v48, v4;
	v59 =	vld [tilespmem:s17+$0xFFFFFFF0]  }
0x7c: {  	[tilespmem:v8+s22+$0x0] =	vst.idx.msk $0xffff, v55;
	v61 =	vadd.s32 v3, v14;
	v60 =	vadd.f32 v16, v4  }
0x7d: {  	v62 =	vadd.s32 v3, v27;
	[tilespmem:v51+s22+$0x0] =	vst.idx.msk $0xffff, v5;
	v5 =	vadd.f32 v52, v4  }
0x7e: {  	[tilespmem:v54+s22+$0x0] =	vst.idx.msk $0xffff, v60;
	v63 =	vadd.f32 v15, v4  }
0x7f: {  	s17 =	sshll.u32 s29, $0x13;
	[tilespmem:v56+s22+$0x0] =	vst.idx.msk $0xffff, v5;
	v5 =	vadd.f32 v57, v4  }
0x80: {  	[tilespmem:v58+s22+$0x0] =	vst.idx.msk $0xffff, v63;
	s0 =	sor.u32 s7, s17;
	v4 =	vadd.f32 v59, v4  }
0x81: {  	s0 =	sshrl.u32 s0, $0x3;
	[tilespmem:v61+s22+$0x0] =	vst.idx.msk $0xffff, v5  }
0x82: {  	s1 =	sadd.s32 s3, s0;
	[tilespmem:v62+s22+$0x0] =	vst.idx.msk $0xffff, v4  }
0x83: {  	[hbm4b:s1+s4] =	stream.linear.scatter [tilespmem:s22], [sflag:$0x3], $0x80, $0x38;
	[tilespmem:$0x11A00] =	vst v63  }
0x84: {  	s20 =	simm.s32 $0xD688;
	s19 =	sadd.s32 $0x10, s1  }
0x85: {  	[hbm4b:s19+s4] =	stream.linear.scatter [tilespmem:s20], [sflag:$0x3], $0x80, $0x38;
	[tilespmem:$0x11A00] =	vst v63  }
0x86: {  	s24 =	simm.s32 $0xD710;
	s23 =	sadd.s32 $0x20, s1  }
0x87: {  	[hbm4b:s23+s4] =	stream.linear.scatter [tilespmem:s24], [sflag:$0x3], $0x80, $0x38;
	[tilespmem:$0x11A00] =	vst v63  }
0x88: {  	s19 =	sadd.s32 $0x30, s1;
	s20 =	simm.s32 $0xD798  }
0x89: {  	[hbm4b:s19+s4] =	stream.linear.scatter [tilespmem:s20], [sflag:$0x3], $0x80, $0x38;
	[tilespmem:$0x11A00] =	vst v63  }
0x8a: {  	s23 =	sadd.s32 $0x40, s1;
	s24 =	simm.s32 $0xD820  }
0x8b: {  	[hbm4b:s23+s4] =	stream.linear.scatter [tilespmem:s24], [sflag:$0x3], $0x80, $0x38;
	[tilespmem:$0x11A00] =	vst v63  }
0x8c: {  	s17 =	sadd.s32 $0x50, s1;
	s19 =	simm.s32 $0xD8A8  }
0x8d: {  	[hbm4b:s17+s4] =	stream.linear.scatter [tilespmem:s19], [sflag:$0x3], $0x80, $0x38;
	[tilespmem:$0x11A00] =	vst v63  }
0x8e: {  	s20 =	sadd.s32 $0x60, s1;
	s23 =	simm.s32 $0xD930  }
0x8f: {  	[hbm4b:s20+s4] =	stream.linear.scatter [tilespmem:s23], [sflag:$0x3], $0x80, $0x38;
	[tilespmem:$0x11A00] =	vst v63  }
0x90: {  	s1 =	sadd.s32 $0x70, s1;
	s24 =	simm.s32 $0xD9B8  }
0x91: {  	[hbm4b:s1+s4] =	stream.linear.scatter [tilespmem:s24], [sflag:$0x3], $0x80, $0x38;
	[tilespmem:$0x11A00] =	vst v63  }
0x92: {  	s17 =	simm.s32 $0xDA40;
	s1 =	sadd.s32 s0, s8  }
0x93: {  	[hbm4b:s1+s4] =	stream.linear.scatter [tilespmem:s17], [sflag:$0x3], $0x80, $0x38;
	[tilespmem:$0x11A00] =	vst v63  }
0x94: {  	s20 =	simm.s32 $0xDAC8;
	s19 =	sadd.s32 $0x10, s1  }
0x95: {  	[hbm4b:s19+s4] =	stream.linear.scatter [tilespmem:s20], [sflag:$0x3], $0x80, $0x38;
	[tilespmem:$0x11A00] =	vst v63  }
0x96: {  	s24 =	simm.s32 $0xDB50;
	s23 =	sadd.s32 $0x20, s1  }
0x97: {  	[hbm4b:s23+s4] =	stream.linear.scatter [tilespmem:s24], [sflag:$0x3], $0x80, $0x38;
	[tilespmem:$0x11A00] =	vst v63  }
0x98: {  	s19 =	sadd.s32 $0x30, s1;
	s20 =	simm.s32 $0xDBD8  }
0x99: {  	[hbm4b:s19+s4] =	stream.linear.scatter [tilespmem:s20], [sflag:$0x3], $0x80, $0x38;
	[tilespmem:$0x11A00] =	vst v63  }
0x9a: {  	s23 =	sadd.s32 $0x40, s1;
	s24 =	simm.s32 $0xDC60  }
0x9b: {  	[hbm4b:s23+s4] =	stream.linear.scatter [tilespmem:s24], [sflag:$0x3], $0x80, $0x38;
	[tilespmem:$0x11A00] =	vst v63  }
0x9c: {  	s17 =	sadd.s32 $0x50, s1;
	s19 =	simm.s32 $0xDCE8  }
0x9d: {  	[hbm4b:s17+s4] =	stream.linear.scatter [tilespmem:s19], [sflag:$0x3], $0x80, $0x38;
	[tilespmem:$0x11A00] =	vst v63  }
0x9e: {  	s20 =	sadd.s32 $0x60, s1;
	s23 =	simm.s32 $0xDD70  }
0x9f: {  	[hbm4b:s20+s4] =	stream.linear.scatter [tilespmem:s23], [sflag:$0x3], $0x80, $0x38;
	[tilespmem:$0x11A00] =	vst v63  }
0xa0: {  	s1 =	sadd.s32 $0x70, s1;
	s24 =	simm.s32 $0xDDF8  }
0xa1: {  	[hbm4b:s1+s4] =	stream.linear.scatter [tilespmem:s24], [sflag:$0x3], $0x80, $0x38;
	[tilespmem:$0x11A00] =	vst v63  }
0xa2: {  	s17 =	simm.s32 $0xDE80;
	s1 =	sadd.s32 s0, s9  }
0xa3: {  	[hbm4b:s1+s4] =	stream.linear.scatter [tilespmem:s17], [sflag:$0x3], $0x80, $0x38;
	[tilespmem:$0x11A00] =	vst v63  }
0xa4: {  	s20 =	simm.s32 $0xDF08;
	s19 =	sadd.s32 $0x10, s1  }
0xa5: {  	[hbm4b:s19+s4] =	stream.linear.scatter [tilespmem:s20], [sflag:$0x3], $0x80, $0x38;
	[tilespmem:$0x11A00] =	vst v63  }
0xa6: {  	s24 =	simm.s32 $0xDF90;
	s23 =	sadd.s32 $0x20, s1  }
0xa7: {  	[hbm4b:s23+s4] =	stream.linear.scatter [tilespmem:s24], [sflag:$0x3], $0x80, $0x38;
	[tilespmem:$0x11A00] =	vst v63  }
0xa8: {  	s19 =	sadd.s32 $0x30, s1;
	s20 =	simm.s32 $0xE018  }
0xa9: {  	[hbm4b:s19+s4] =	stream.linear.scatter [tilespmem:s20], [sflag:$0x3], $0x80, $0x38;
	[tilespmem:$0x11A00] =	vst v63  }
0xaa: {  	s23 =	sadd.s32 $0x40, s1;
	s24 =	simm.s32 $0xE0A0  }
0xab: {  	[hbm4b:s23+s4] =	stream.linear.scatter [tilespmem:s24], [sflag:$0x3], $0x80, $0x38;
	[tilespmem:$0x11A00] =	vst v63  }
0xac: {  	s17 =	sadd.s32 $0x50, s1;
	s19 =	simm.s32 $0xE128  }
0xad: {  	[hbm4b:s17+s4] =	stream.linear.scatter [tilespmem:s19], [sflag:$0x3], $0x80, $0x38;
	[tilespmem:$0x11A00] =	vst v63  }
0xae: {  	s20 =	sadd.s32 $0x60, s1;
	s23 =	simm.s32 $0xE1B0  }
0xaf: {  	[hbm4b:s20+s4] =	stream.linear.scatter [tilespmem:s23], [sflag:$0x3], $0x80, $0x38;
	[tilespmem:$0x11A00] =	vst v63  }
0xb0: {  	s1 =	sadd.s32 $0x70, s1;
	s24 =	simm.s32 $0xE238  }
0xb1: {  	[hbm4b:s1+s4] =	stream.linear.scatter [tilespmem:s24], [sflag:$0x3], $0x80, $0x38;
	[tilespmem:$0x11A00] =	vst v63  }
0xb2: {  	s17 =	simm.s32 $0xE2C0;
	s1 =	sadd.s32 s0, s10  }
0xb3: {  	[hbm4b:s1+s4] =	stream.linear.scatter [tilespmem:s17], [sflag:$0x3], $0x80, $0x38;
	[tilespmem:$0x11A00] =	vst v63  }
0xb4: {  	s20 =	simm.s32 $0xE348;
	s19 =	sadd.s32 $0x10, s1  }
0xb5: {  	[hbm4b:s19+s4] =	stream.linear.scatter [tilespmem:s20], [sflag:$0x3], $0x80, $0x38;
	[tilespmem:$0x11A00] =	vst v63  }
0xb6: {  	s24 =	simm.s32 $0xE3D0;
	s23 =	sadd.s32 $0x20, s1  }
0xb7: {  	[hbm4b:s23+s4] =	stream.linear.scatter [tilespmem:s24], [sflag:$0x3], $0x80, $0x38;
	[tilespmem:$0x11A00] =	vst v63  }
0xb8: {  	s19 =	sadd.s32 $0x30, s1;
	s20 =	simm.s32 $0xE458  }
0xb9: {  	[hbm4b:s19+s4] =	stream.linear.scatter [tilespmem:s20], [sflag:$0x3], $0x80, $0x38;
	[tilespmem:$0x11A00] =	vst v63  }
0xba: {  	s23 =	sadd.s32 $0x40, s1;
	s24 =	simm.s32 $0xE4E0  }
0xbb: {  	[hbm4b:s23+s4] =	stream.linear.scatter [tilespmem:s24], [sflag:$0x3], $0x80, $0x38;
	[tilespmem:$0x11A00] =	vst v63  }
0xbc: {  	s17 =	sadd.s32 $0x50, s1;
	s19 =	simm.s32 $0xE568  }
0xbd: {  	[hbm4b:s17+s4] =	stream.linear.scatter [tilespmem:s19], [sflag:$0x3], $0x80, $0x38;
	[tilespmem:$0x11A00] =	vst v63  }
0xbe: {  	s20 =	sadd.s32 $0x60, s1;
	s23 =	simm.s32 $0xE5F0  }
0xbf: {  	[hbm4b:s20+s4] =	stream.linear.scatter [tilespmem:s23], [sflag:$0x3], $0x80, $0x38;
	[tilespmem:$0x11A00] =	vst v63  }
0xc0: {  	s1 =	sadd.s32 $0x70, s1;
	s24 =	simm.s32 $0xE678  }
0xc1: {  	[hbm4b:s1+s4] =	stream.linear.scatter [tilespmem:s24], [sflag:$0x3], $0x80, $0x38;
	[tilespmem:$0x11A00] =	vst v63  }
0xc2: {  	s17 =	simm.s32 $0xE700;
	s1 =	sadd.s32 s0, s11  }
0xc3: {  	[hbm4b:s1+s4] =	stream.linear.scatter [tilespmem:s17], [sflag:$0x3], $0x80, $0x38;
	[tilespmem:$0x11A00] =	vst v63  }
0xc4: {  	s20 =	simm.s32 $0xE788;
	s19 =	sadd.s32 $0x10, s1  }
0xc5: {  	[hbm4b:s19+s4] =	stream.linear.scatter [tilespmem:s20], [sflag:$0x3], $0x80, $0x38;
	[tilespmem:$0x11A00] =	vst v63  }
0xc6: {  	s24 =	simm.s32 $0xE810;
	s23 =	sadd.s32 $0x20, s1  }
0xc7: {  	[hbm4b:s23+s4] =	stream.linear.scatter [tilespmem:s24], [sflag:$0x3], $0x80, $0x38;
	[tilespmem:$0x11A00] =	vst v63  }
0xc8: {  	s19 =	sadd.s32 $0x30, s1;
	s20 =	simm.s32 $0xE898  }
0xc9: {  	[hbm4b:s19+s4] =	stream.linear.scatter [tilespmem:s20], [sflag:$0x3], $0x80, $0x38;
	[tilespmem:$0x11A00] =	vst v63  }
0xca: {  	s23 =	sadd.s32 $0x40, s1;
	s24 =	simm.s32 $0xE920  }
0xcb: {  	[hbm4b:s23+s4] =	stream.linear.scatter [tilespmem:s24], [sflag:$0x3], $0x80, $0x38;
	[tilespmem:$0x11A00] =	vst v63  }
0xcc: {  	s17 =	sadd.s32 $0x50, s1;
	s19 =	simm.s32 $0xE9A8  }
0xcd: {  	[hbm4b:s17+s4] =	stream.linear.scatter [tilespmem:s19], [sflag:$0x3], $0x80, $0x38;
	[tilespmem:$0x11A00] =	vst v63  }
0xce: {  	s20 =	sadd.s32 $0x60, s1;
	s23 =	simm.s32 $0xEA30  }
0xcf: {  	[hbm4b:s20+s4] =	stream.linear.scatter [tilespmem:s23], [sflag:$0x3], $0x80, $0x38;
	[tilespmem:$0x11A00] =	vst v63  }
0xd0: {  	s1 =	sadd.s32 $0x70, s1;
	s24 =	simm.s32 $0xEAB8  }
0xd1: {  	[hbm4b:s1+s4] =	stream.linear.scatter [tilespmem:s24], [sflag:$0x3], $0x80, $0x38;
	[tilespmem:$0x11A00] =	vst v63  }
0xd2: {  	s17 =	simm.s32 $0xEB40;
	s1 =	sadd.s32 s0, s12  }
0xd3: {  	[hbm4b:s1+s4] =	stream.linear.scatter [tilespmem:s17], [sflag:$0x3], $0x80, $0x38;
	[tilespmem:$0x11A00] =	vst v63  }
0xd4: {  	s20 =	simm.s32 $0xEBC8;
	s19 =	sadd.s32 $0x10, s1  }
0xd5: {  	[hbm4b:s19+s4] =	stream.linear.scatter [tilespmem:s20], [sflag:$0x3], $0x80, $0x38;
	[tilespmem:$0x11A00] =	vst v63  }
0xd6: {  	s24 =	simm.s32 $0xEC50;
	s23 =	sadd.s32 $0x20, s1  }
0xd7: {  	[hbm4b:s23+s4] =	stream.linear.scatter [tilespmem:s24], [sflag:$0x3], $0x80, $0x38;
	[tilespmem:$0x11A00] =	vst v63  }
0xd8: {  	s19 =	sadd.s32 $0x30, s1;
	s20 =	simm.s32 $0xECD8  }
0xd9: {  	[hbm4b:s19+s4] =	stream.linear.scatter [tilespmem:s20], [sflag:$0x3], $0x80, $0x38;
	[tilespmem:$0x11A00] =	vst v63  }
0xda: {  	s23 =	sadd.s32 $0x40, s1;
	s24 =	simm.s32 $0xED60  }
0xdb: {  	[hbm4b:s23+s4] =	stream.linear.scatter [tilespmem:s24], [sflag:$0x3], $0x80, $0x38;
	[tilespmem:$0x11A00] =	vst v63  }
0xdc: {  	s17 =	sadd.s32 $0x50, s1;
	s19 =	simm.s32 $0xEDE8  }
0xdd: {  	[hbm4b:s17+s4] =	stream.linear.scatter [tilespmem:s19], [sflag:$0x3], $0x80, $0x38;
	[tilespmem:$0x11A00] =	vst v63  }
0xde: {  	s20 =	sadd.s32 $0x60, s1;
	s23 =	simm.s32 $0xEE70  }
0xdf: {  	[hbm4b:s20+s4] =	stream.linear.scatter [tilespmem:s23], [sflag:$0x3], $0x80, $0x38;
	[tilespmem:$0x11A00] =	vst v63  }
0xe0: {  	s1 =	sadd.s32 $0x70, s1;
	s24 =	simm.s32 $0xEEF8  }
0xe1: {  	[hbm4b:s1+s4] =	stream.linear.scatter [tilespmem:s24], [sflag:$0x3], $0x80, $0x38;
	[tilespmem:$0x11A00] =	vst v63  }
0xe2: {  	s17 =	simm.s32 $0xEF80;
	s1 =	sadd.s32 s0, s13  }
0xe3: {  	[hbm4b:s1+s4] =	stream.linear.scatter [tilespmem:s17], [sflag:$0x3], $0x80, $0x38;
	[tilespmem:$0x11A00] =	vst v63  }
0xe4: {  	s20 =	simm.s32 $0xF008;
	s19 =	sadd.s32 $0x10, s1  }
0xe5: {  	[hbm4b:s19+s4] =	stream.linear.scatter [tilespmem:s20], [sflag:$0x3], $0x80, $0x38;
	[tilespmem:$0x11A00] =	vst v63  }
0xe6: {  	s24 =	simm.s32 $0xF090;
	s23 =	sadd.s32 $0x20, s1  }
0xe7: {  	[hbm4b:s23+s4] =	stream.linear.scatter [tilespmem:s24], [sflag:$0x3], $0x80, $0x38;
	[tilespmem:$0x11A00] =	vst v63  }
0xe8: {  	s19 =	sadd.s32 $0x30, s1;
	s20 =	simm.s32 $0xF118  }
0xe9: {  	[hbm4b:s19+s4] =	stream.linear.scatter [tilespmem:s20], [sflag:$0x3], $0x80, $0x38;
	[tilespmem:$0x11A00] =	vst v63  }
0xea: {  	s23 =	sadd.s32 $0x40, s1;
	s24 =	simm.s32 $0xF1A0  }
0xeb: {  	[hbm4b:s23+s4] =	stream.linear.scatter [tilespmem:s24], [sflag:$0x3], $0x80, $0x38;
	[tilespmem:$0x11A00] =	vst v63  }
0xec: {  	s19 =	sadd.s32 $0x50, s1;
	s20 =	simm.s32 $0xF228  }
0xed: {  	[hbm4b:s19+s4] =	stream.linear.scatter [tilespmem:s20], [sflag:$0x3], $0x80, $0x38;
	[tilespmem:$0x11A00] =	vst v63  }
0xee: {  	s23 =	sadd.s32 $0x60, s1;
	s24 =	simm.s32 $0xF2B0  }
0xef: {  	[hbm4b:s23+s4] =	stream.linear.scatter [tilespmem:s24], [sflag:$0x3], $0x80, $0x38;
	[tilespmem:$0x11A00] =	vst v63  }
0xf0: {  	s1 =	sadd.s32 $0x70, s1;
	s19 =	simm.s32 $0xF338  }
0xf1: {  	[hbm4b:s1+s4] =	stream.linear.scatter [tilespmem:s19], [sflag:$0x3], $0x80, $0x38;
	[tilespmem:$0x11A00] =	vst v63  }
0xf2: {  	s0 =	sadd.s32 s0, s14;
	s20 =	simm.s32 $0xF3C0  }
0xf3: {  	[hbm4b:s0+s4] =	stream.linear.scatter [tilespmem:s20], [sflag:$0x3], $0x80, $0x38;
	[tilespmem:$0x11A00] =	vst v63  }
0xf4: {  	s23 =	sadd.s32 $0x10, s0;
	s24 =	simm.s32 $0xF448  }
0xf5: {  	[hbm4b:s23+s4] =	stream.linear.scatter [tilespmem:s24], [sflag:$0x3], $0x80, $0x38;
	[tilespmem:$0x11A00] =	vst v63  }
0xf6: {  	s2 =	sadd.s32 $0x20, s0;
	s17 =	simm.s32 $0xF4D0  }
0xf7: {  	[hbm4b:s2+s4] =	stream.linear.scatter [tilespmem:s17], [sflag:$0x3], $0x80, $0x38;
	[tilespmem:$0x11A00] =	vst v63  }
0xf8: {  	s19 =	sadd.s32 $0x30, s0;
	s20 =	simm.s32 $0xF558  }
0xf9: {  	[hbm4b:s19+s4] =	stream.linear.scatter [tilespmem:s20], [sflag:$0x3], $0x80, $0x38;
	[tilespmem:$0x11A00] =	vst v63  }
0xfa: {  	s23 =	sadd.s32 $0x40, s0;
	s24 =	simm.s32 $0xF5E0  }
0xfb: {  	[hbm4b:s23+s4] =	stream.linear.scatter [tilespmem:s24], [sflag:$0x3], $0x80, $0x38;
	[tilespmem:$0x11A00] =	vst v63  }
0xfc: {  	p1 =	sne.s32 s29, $0x63;
	s17 =	sadd.s32 $0x50, s0;
	s19 =	simm.s32 $0xF668  }
0xfd: {  	[hbm4b:s17+s4] =	stream.linear.scatter [tilespmem:s19], [sflag:$0x3], $0x80, $0x38;
	[tilespmem:$0x11A00] =	vst v63  }
.Ltmp1:
0xfe: {  	_ = 	snop;
	(pc) =	sbr.rel @p1 .LBB2_6-.Ltmp1, $4  }
0xff: {  	s20 =	sadd.s32 $0x60, s0;
	s23 =	simm.s32 $0xF6F0  }
0x100: {  	[hbm4b:s20+s4] =	stream.linear.scatter [tilespmem:s23], [sflag:$0x3], $0x80, $0x38;
	[tilespmem:$0x11A00] =	vst v63  }
0x101: {  	s0 =	sadd.s32 $0x70, s0;
	s24 =	simm.s32 $0xF778  }
0x102: {  	[hbm4b:s0+s4] =	stream.linear.scatter [tilespmem:s24], [sflag:$0x3], $0x80, $0x38;
	[tilespmem:$0x11A00] =	vst v63  }
.Ltmp2:
0x103: {  	(pc) =	sbr.rel .LBB2_7-.Ltmp2, $4  }
0x104: {  	_ = 	snop  }
0x105: {  	_ =	swait.ge [sflag:s6], $0x2000  }
0x106: {  	[sflag:s6] =	ssyncset.done $0x0  }
0x107: {  	[sflag:s6] =	ssyncadd.s32 $0xFFFFE000  }
.LBB2_6:
0x108: {  	s0 =	sshll.u32 s31, $0x7  }
0x109: {  	s0 =	sadd.s32 $0x100, s0  }
.Ltmp3:
0x10a: {  	s1 =	simm.s32 $0x9600;
	s0 =	sand.u32 $0xFF00, s0;
	(pc) =	sbr.rel @p0 .LBB2_8-.Ltmp3, $4  }
0x10b: {  	[tilespmem:s1], [sflag:$0x1] =	stream.indirect.gather [hbm4b:s5+s18], $0x40, s0, s18, $0xb8;
	[tilespmem:$0x11A00] =	vst v63  }
0x10c: {  	_ =	swait.ge [sflag:s6], $0x2000  }
0x10d: {  	[sflag:s6] =	ssyncset.done $0x0  }
0x10e: {  	[sflag:s6] =	ssyncadd.s32 $0xFFFFE000  }
.LBB2_7:
0x10f: {  	_ =	swait.ge [sflag:s15], $0x400  }
0x110: {  	[sflag:s15] =	ssyncset.done $0x0  }
0x111: {  	[sflag:s15] =	ssyncadd.s32 $0xFFFFFC00  }
0x112: {  	_ =	swait.ge [sflag:s15], $0x400  }
0x113: {  	[sflag:s15] =	ssyncset.done $0x0  }
0x114: {  	[sflag:s15] =	ssyncadd.s32 $0xFFFFFC00  }
0x115: {  	_ =	swait.ge [sflag:s15], $0x400  }
0x116: {  	[sflag:s15] =	ssyncset.done $0x0  }
0x117: {  	[sflag:s15] =	ssyncadd.s32 $0xFFFFFC00  }
0x118: {  	_ =	swait.ge [sflag:s15], $0x400  }
0x119: {  	[sflag:s15] =	ssyncset.done $0x0  }
0x11a: {  	[sflag:s15] =	ssyncadd.s32 $0xFFFFFC00  }
0x11b: {  	_ =	swait.ge [sflag:s15], $0x400  }
0x11c: {  	[sflag:s15] =	ssyncset.done $0x0  }
0x11d: {  	[sflag:s15] =	ssyncadd.s32 $0xFFFFFC00  }
0x11e: {  	_ =	swait.ge [sflag:s15], $0x400  }
0x11f: {  	[sflag:s15] =	ssyncset.done $0x0  }
0x120: {  	[sflag:s15] =	ssyncadd.s32 $0xFFFFFC00  }
0x121: {  	_ =	swait.ge [sflag:s15], $0x400  }
0x122: {  	[sflag:s15] =	ssyncset.done $0x0  }
0x123: {  	[sflag:s15] =	ssyncadd.s32 $0xFFFFFC00  }
0x124: {  	_ =	swait.ge [sflag:s15], $0x400  }
0x125: {  	[sflag:s15] =	ssyncset.done $0x0  }
0x126: {  	[sflag:s15] =	ssyncadd.s32 $0xFFFFFC00  }
.LBB2_8:
0x127: {  	s0 =	sshll.u32 s30, $0x6;
	s17 =	simm.s32 $0xB640  }
0x128: {  	s1 =	simm.s32 $0x1;
	s0 =	sand.u32 $0x3FFFFFC0, s0;
	v6 =	vld [tilespmem:s17+$0x0]  }
0x129: {  	v4 =	vmov s1;
	v9 =	vld [tilespmem:s0+$0x6400]  }
0x12a: {  	v14 =	vand.u32 $0x7F, v4  }
0x12b: {  	v8 =	vadd.s32 v0, v14  }
0x12c: {  	s19 =	simm.s32 $0x0;
	v10 =	vld [tilespmem:s17+$0xFFFFFFC0]  }
0x12d: {  	v7 =	vld [tilespmem:s0+$0x6410];
	v4 =	vmov s19  }
0x12e: {  	s1 =	simm.s32 $0xB6C0;
	v5 =	vld [tilespmem:s0+$0x6420];
	v18 =	vand.u32 $0x7E, v4;
	v6 =	vadd.f32 v6, v9  }
0x12f: {  	s20 =	simm.s32 $0x3;
	v12 =	vld [tilespmem:s1+$0x0];
	v11 =	vadd.s32 v0, v18  }
0x130: {  	v4 =	vld [tilespmem:s0+$0x6430];
	[tilespmem:v8+s16+$0x0] =	vst.idx.msk $0xffff, v6;
	v6 =	vmov s20  }
0x131: {  	v6 =	vand.u32 $0x7F, v6;
	v13 =	vld [tilespmem:s17+$0x10]  }
0x132: {  	v8 =	vadd.f32 v10, v9;
	v10 =	vadd.s32 v0, v6  }
0x133: {  	s23 =	simm.s32 $0x2;
	v15 =	vadd.s32 v1, v14  }
0x134: {  	[tilespmem:v11+s16+$0x0] =	vst.idx.msk $0xffff, v8;
	v8 =	vmov s23;
	v11 =	vld [tilespmem:s1+$0xFFFFFFC0]  }
0x135: {  	v12 =	vadd.f32 v12, v9;
	v8 =	vand.u32 $0x7E, v8;
	v16 =	vld [tilespmem:s17+$0xFFFFFFD0]  }
0x136: {  	s2 =	simm.s32 $0x5;
	s0 =	simm.s32 $0xB740;
	v17 =	vadd.s32 v0, v8;
	v13 =	vadd.f32 v13, v7  }
0x137: {  	v19 =	vld [tilespmem:s0+$0x0];
	[tilespmem:v10+s16+$0x0] =	vst.idx.msk $0xffff, v12;
	v12 =	vadd.s32 v1, v18;
	v10 =	vmov s2  }
0x138: {  	[tilespmem:v15+s16+$0x0] =	vst.idx.msk $0xffff, v13;
	v10 =	vand.u32 $0x7F, v10;
	v13 =	vld [tilespmem:s1+$0x10]  }
0x139: {  	v11 =	vadd.f32 v11, v9;
	v15 =	vadd.s32 v0, v10;
	v20 =	vld [tilespmem:s17+$0x20]  }
0x13a: {  	s24 =	simm.s32 $0x4;
	v21 =	vadd.s32 v1, v6;
	v16 =	vadd.f32 v16, v7  }
0x13b: {  	v22 =	vadd.s32 v2, v14;
	[tilespmem:v17+s16+$0x0] =	vst.idx.msk $0xffff, v11;
	v11 =	vmov s24;
	v17 =	vld [tilespmem:s0+$0xFFFFFFC0]  }
0x13c: {  	v11 =	vand.u32 $0x7E, v11;
	[tilespmem:v12+s16+$0x0] =	vst.idx.msk $0xffff, v16;
	v12 =	vadd.f32 v19, v9;
	v16 =	vld [tilespmem:s1+$0xFFFFFFD0]  }
0x13d: {  	s19 =	simm.s32 $0x7;
	s2 =	simm.s32 $0xB7C0;
	v19 =	vadd.s32 v0, v11;
	v13 =	vadd.f32 v13, v7;
	v23 =	vld [tilespmem:s17+$0xFFFFFFE0]  }
0x13e: {  	v24 =	vld [tilespmem:s2+$0x0];
	[tilespmem:v15+s16+$0x0] =	vst.idx.msk $0xffff, v12;
	v15 =	vadd.s32 v1, v8;
	v20 =	vadd.f32 v20, v5;
	v12 =	vmov s19  }
0x13f: {  	[tilespmem:v21+s16+$0x0] =	vst.idx.msk $0xffff, v13;
	v21 =	vadd.s32 v2, v18;
	v12 =	vand.u32 $0x7F, v12;
	v25 =	vld [tilespmem:s0+$0x10]  }
0x140: {  	v13 =	vadd.f32 v17, v9;
	[tilespmem:v22+s16+$0x0] =	vst.idx.msk $0xffff, v20;
	v17 =	vadd.s32 v0, v12;
	v20 =	vld [tilespmem:s1+$0x20]  }
0x141: {  	s31 =	simm.s32 $0x6;
	v26 =	vadd.s32 v1, v10;
	v16 =	vadd.f32 v16, v7;
	v27 =	vld [tilespmem:s17+$0x30]  }
0x142: {  	v28 =	vadd.s32 v2, v6;
	[tilespmem:v19+s16+$0x0] =	vst.idx.msk $0xffff, v13;
	v13 =	vmov s31;
	v19 =	vadd.f32 v23, v5;
	v23 =	vld [tilespmem:s2+$0xFFFFFFC0]  }
0x143: {  	v30 =	vadd.s32 v3, v14;
	v13 =	vand.u32 $0x7E, v13;
	v29 =	vld [tilespmem:s0+$0xFFFFFFD0];
	[tilespmem:v15+s16+$0x0] =	vst.idx.msk $0xffff, v16;
	v16 =	vadd.f32 v24, v9  }
0x144: {  	[tilespmem:v21+s16+$0x0] =	vst.idx.msk $0xffff, v19;
	v21 =	vadd.s32 v0, v13;
	v14 =	vadd.f32 v25, v7;
	v15 =	vld [tilespmem:s1+$0xFFFFFFE0]  }
0x145: {  	s20 =	simm.s32 $0x9;
	s19 =	simm.s32 $0xB840;
	v19 =	vadd.s32 v1, v11;
	[tilespmem:v17+s16+$0x0] =	vst.idx.msk $0xffff, v16;
	v20 =	vadd.f32 v20, v5;
	v16 =	vld [tilespmem:s17+$0xFFFFFFF0]  }
0x146: {  	v22 =	vld [tilespmem:s19+$0x0];
	v24 =	vmov s20;
	v17 =	vadd.s32 v2, v8;
	[tilespmem:v26+s16+$0x0] =	vst.idx.msk $0xffff, v14;
	v27 =	vadd.f32 v27, v4  }
0x147: {  	v18 =	vadd.s32 v3, v18;
	v14 =	vand.u32 $0x7F, v24;
	v26 =	vadd.f32 v23, v9;
	v23 =	vld [tilespmem:s2+$0x10];
	[tilespmem:v28+s16+$0x0] =	vst.idx.msk $0xffff, v20  }
0x148: {  	s23 =	simm.s32 $0x8;
	s20 =	simm.s32 $0xA;
	s17 =	simm.s32 $0xB840;
	v24 =	vadd.s32 v0, v14;
	v25 =	vadd.f32 v29, v7;
	v20 =	vld [tilespmem:s0+$0x20];
	[tilespmem:v30+s16+$0x0] =	vst.idx.msk $0xffff, v27  }
.LBB2_9:
0x149: {  	p0 =	slt.u32 s20, $0x7E;
	[tilespmem:v21+s16+$0x0] =	vst.idx.msk $0xffff, v26;
	v26 =	vadd.s32 v1, v12;
	v15 =	vadd.f32 v15, v5;
	v27 =	vld [tilespmem:s1+$0x30];
	v28 =	vmov v11  }
0x14a: {  	v21 =	vmov s23;
	v11 =	vmovc v13;
	s23 =	smov.u32 s20;
	v29 =	vld [tilespmem:s19+$0xFFFFFFC0];
	[tilespmem:v19+s16+$0x0] =	vst.idx.msk $0xffff, v25;
	v25 =	vadd.s32 v2, v10;
	v16 =	vadd.f32 v16, v4  }
0x14b: {  	v31 =	vadd.s32 v3, v6;
	v13 =	vand.u32 $0x7E, v21;
	v19 =	vadd.f32 v22, v9;
	v30 =	vld [tilespmem:s2+$0xFFFFFFD0];
	[tilespmem:v17+s16+$0x0] =	vst.idx.msk $0xffff, v15  }
.Ltmp4:
0x14c: {  	v6 =	vmov v10;
	v21 =	vadd.s32 v0, v13;
	v17 =	vadd.f32 v23, v7;
	v15 =	vld [tilespmem:s0+$0xFFFFFFE0];
	[tilespmem:v18+s16+$0x0] =	vst.idx.msk $0xffff, v16;
	(pc) =	sbr.rel @p0 .LBB2_9-.Ltmp4, $4  }
0x14d: {  	s24 =	sadd.s32 $0x1, s20;
	s19 =	sadd.s32 $0x80, s19;
	v10 =	vmov v12;
	[tilespmem:v24+s16+$0x0] =	vst.idx.msk $0xffff, v19;
	v19 =	vadd.s32 v1, v11;
	v18 =	vadd.f32 v20, v5;
	v16 =	vld [tilespmem:s1+$0xFFFFFFF0];
	s1 =	smov.u32 s0  }
0x14e: {  	v12 =	vmovc v14;
	v20 =	vmov s24;
	s0 =	smov.u32 s2;
	s2 =	smov.u32 s17;
	s17 =	smov.u32 s19;
	v22 =	vld [tilespmem:s19+$0x0];
	[tilespmem:v26+s16+$0x0] =	vst.idx.msk $0xffff, v17;
	v17 =	vadd.s32 v2, v28;
	v27 =	vadd.f32 v27, v4  }
0x14f: {  	v14 =	vand.u32 $0x7F, v20;
	v26 =	vadd.f32 v29, v9;
	v23 =	vld [tilespmem:s2+$0x10];
	[tilespmem:v25+s16+$0x0] =	vst.idx.msk $0xffff, v18;
	v18 =	vadd.s32 v3, v8  }
0x150: {  	s20 =	sadd.s32 $0x2, s20;
	v24 =	vadd.s32 v0, v14;
	v8 =	vmov v28;
	v25 =	vadd.f32 v30, v7;
	v20 =	vld [tilespmem:s0+$0x20];
	[tilespmem:v31+s16+$0x0] =	vst.idx.msk $0xffff, v27  }
0x151: {  	v27 =	vmov s23;
	v28 =	vld [tilespmem:s19+$0xFFFFFFC0]  }
0x152: {  	v27 =	vand.u32 $0x7E, v27  }
0x153: {  	v29 =	vadd.s32 v0, v27;
	_ =	sdelay $0x1  }
0x154: {  	v22 =	vadd.f32 v22, v9  }
0x155: {  	[tilespmem:v21+s16+$0x0] =	vst.idx.msk $0xffff, v26;
	v57 =	vadd.f32 v28, v9  }
0x156: {  	v21 =	vld [tilespmem:s2+$0xFFFFFFD0];
	[tilespmem:v24+s16+$0x0] =	vst.idx.msk $0xffff, v22  }
0x157: {  	v58 =	vadd.s32 v1, v12;
	v24 =	vld [tilespmem:s17+$0x10];
	[tilespmem:v29+s16+$0x0] =	vst.idx.msk $0xffff, v57  }
0x158: {  	v59 =	vadd.s32 v1, v13;
	v60 =	vld [tilespmem:s17+$0xFFFFFFD0]  }
0x159: {  	v61 =	vadd.s32 v1, v14  }
0x15a: {  	v62 =	vadd.s32 v1, v27;
	v23 =	vadd.f32 v23, v7  }
0x15b: {  	[tilespmem:v19+s16+$0x0] =	vst.idx.msk $0xffff, v25;
	v63 =	vadd.f32 v21, v7  }
0x15c: {  	v30 =	vld [tilespmem:s0+$0xFFFFFFE0];
	[tilespmem:v58+s16+$0x0] =	vst.idx.msk $0xffff, v23;
	v31 =	vadd.f32 v24, v7  }
0x15d: {  	v32 =	vadd.s32 v2, v10;
	v33 =	vld [tilespmem:s2+$0x20];
	[tilespmem:v59+s16+$0x0] =	vst.idx.msk $0xffff, v63;
	v34 =	vadd.f32 v60, v7  }
0x15e: {  	v35 =	vadd.f32 v15, v5;
	v36 =	vadd.s32 v2, v11;
	v19 =	vld [tilespmem:s2+$0xFFFFFFE0];
	[tilespmem:v61+s16+$0x0] =	vst.idx.msk $0xffff, v31  }
0x15f: {  	v37 =	vadd.s32 v2, v12;
	v16 =	vadd.f32 v16, v4;
	v38 =	vld [tilespmem:s17+$0x20];
	[tilespmem:v62+s16+$0x0] =	vst.idx.msk $0xffff, v34  }
0x160: {  	v40 =	vadd.s32 v2, v13;
	[tilespmem:v17+s16+$0x0] =	vst.idx.msk $0xffff, v35;
	v39 =	vadd.f32 v20, v5;
	v41 =	vld [tilespmem:s17+$0xFFFFFFE0]  }
0x161: {  	v42 =	vld [tilespmem:s1+$0x30];
	v44 =	vadd.s32 v2, v14;
	[tilespmem:v18+s16+$0x0] =	vst.idx.msk $0xffff, v16;
	v43 =	vadd.f32 v30, v5  }
0x162: {  	v47 =	vadd.s32 v2, v27;
	v45 =	vld [tilespmem:s1+$0xFFFFFFF0];
	[tilespmem:v32+s16+$0x0] =	vst.idx.msk $0xffff, v39;
	v46 =	vadd.f32 v33, v5  }
0x163: {  	v6 =	vadd.s32 v3, v6;
	v48 =	vld [tilespmem:s0+$0x30];
	[tilespmem:v36+s16+$0x0] =	vst.idx.msk $0xffff, v43;
	v49 =	vadd.f32 v19, v5  }
0x164: {  	v8 =	vadd.s32 v3, v8;
	v16 =	vld [tilespmem:s0+$0xFFFFFFF0];
	[tilespmem:v37+s16+$0x0] =	vst.idx.msk $0xffff, v46;
	v50 =	vadd.f32 v38, v5  }
0x165: {  	v51 =	vadd.s32 v3, v10;
	v52 =	vld [tilespmem:s2+$0x30];
	[tilespmem:v40+s16+$0x0] =	vst.idx.msk $0xffff, v49;
	v5 =	vadd.f32 v41, v5  }
0x166: {  	v54 =	vadd.s32 v3, v11;
	v53 =	vadd.f32 v42, v4;
	v15 =	vld [tilespmem:s2+$0xFFFFFFF0];
	[tilespmem:v44+s16+$0x0] =	vst.idx.msk $0xffff, v50  }
0x167: {  	v56 =	vadd.s32 v3, v12;
	v55 =	vadd.f32 v45, v4;
	v57 =	vld [tilespmem:s17+$0x30];
	[tilespmem:v47+s16+$0x0] =	vst.idx.msk $0xffff, v5  }
0x168: {  	v58 =	vadd.s32 v3, v13;
	[tilespmem:v6+s16+$0x0] =	vst.idx.msk $0xffff, v53;
	v5 =	vadd.f32 v48, v4;
	v59 =	vld [tilespmem:s17+$0xFFFFFFF0]  }
0x169: {  	[tilespmem:v8+s16+$0x0] =	vst.idx.msk $0xffff, v55;
	v61 =	vadd.s32 v3, v14;
	v60 =	vadd.f32 v16, v4  }
0x16a: {  	v62 =	vadd.s32 v3, v27;
	[tilespmem:v51+s16+$0x0] =	vst.idx.msk $0xffff, v5;
	v5 =	vadd.f32 v52, v4  }
0x16b: {  	[tilespmem:v54+s16+$0x0] =	vst.idx.msk $0xffff, v60;
	v63 =	vadd.f32 v15, v4  }
0x16c: {  	s17 =	sshll.u32 s30, $0x12;
	[tilespmem:v56+s16+$0x0] =	vst.idx.msk $0xffff, v5;
	v5 =	vadd.f32 v57, v4  }
0x16d: {  	[tilespmem:v58+s16+$0x0] =	vst.idx.msk $0xffff, v63;
	s0 =	sor.u32 s7, s17;
	v4 =	vadd.f32 v59, v4  }
0x16e: {  	s0 =	sshrl.u32 s0, $0x3;
	[tilespmem:v61+s16+$0x0] =	vst.idx.msk $0xffff, v5  }
0x16f: {  	s1 =	sadd.s32 s3, s0;
	[tilespmem:v62+s16+$0x0] =	vst.idx.msk $0xffff, v4  }
0x170: {  	[hbm4b:s1+s4] =	stream.linear.scatter [tilespmem:s16], [sflag:$0x4], $0x80, $0x38;
	[tilespmem:$0x11A00] =	vst v63  }
0x171: {  	s20 =	simm.s32 $0xF888;
	s19 =	sadd.s32 $0x10, s1  }
0x172: {  	[hbm4b:s19+s4] =	stream.linear.scatter [tilespmem:s20], [sflag:$0x4], $0x80, $0x38;
	[tilespmem:$0x11A00] =	vst v63  }
0x173: {  	s24 =	simm.s32 $0xF910;
	s23 =	sadd.s32 $0x20, s1  }
0x174: {  	[hbm4b:s23+s4] =	stream.linear.scatter [tilespmem:s24], [sflag:$0x4], $0x80, $0x38;
	[tilespmem:$0x11A00] =	vst v63  }
0x175: {  	s31 =	simm.s32 $0xF998;
	s30 =	sadd.s32 $0x30, s1  }
0x176: {  	[hbm4b:s30+s4] =	stream.linear.scatter [tilespmem:s31], [sflag:$0x4], $0x80, $0x38;
	[tilespmem:$0x11A00] =	vst v63  }
0x177: {  	s17 =	sadd.s32 $0x40, s1;
	s19 =	simm.s32 $0xFA20  }
0x178: {  	[hbm4b:s17+s4] =	stream.linear.scatter [tilespmem:s19], [sflag:$0x4], $0x80, $0x38;
	[tilespmem:$0x11A00] =	vst v63  }
0x179: {  	s20 =	sadd.s32 $0x50, s1;
	s23 =	simm.s32 $0xFAA8  }
0x17a: {  	[hbm4b:s20+s4] =	stream.linear.scatter [tilespmem:s23], [sflag:$0x4], $0x80, $0x38;
	[tilespmem:$0x11A00] =	vst v63  }
0x17b: {  	s24 =	sadd.s32 $0x60, s1;
	s30 =	simm.s32 $0xFB30  }
0x17c: {  	[hbm4b:s24+s4] =	stream.linear.scatter [tilespmem:s30], [sflag:$0x4], $0x80, $0x38;
	[tilespmem:$0x11A00] =	vst v63  }
0x17d: {  	s1 =	sadd.s32 $0x70, s1;
	s31 =	simm.s32 $0xFBB8  }
0x17e: {  	[hbm4b:s1+s4] =	stream.linear.scatter [tilespmem:s31], [sflag:$0x4], $0x80, $0x38;
	[tilespmem:$0x11A00] =	vst v63  }
0x17f: {  	s17 =	simm.s32 $0xFC40;
	s1 =	sadd.s32 s0, s8  }
0x180: {  	[hbm4b:s1+s4] =	stream.linear.scatter [tilespmem:s17], [sflag:$0x4], $0x80, $0x38;
	[tilespmem:$0x11A00] =	vst v63  }
0x181: {  	s20 =	simm.s32 $0xFCC8;
	s19 =	sadd.s32 $0x10, s1  }
0x182: {  	[hbm4b:s19+s4] =	stream.linear.scatter [tilespmem:s20], [sflag:$0x4], $0x80, $0x38;
	[tilespmem:$0x11A00] =	vst v63  }
0x183: {  	s24 =	simm.s32 $0xFD50;
	s23 =	sadd.s32 $0x20, s1  }
0x184: {  	[hbm4b:s23+s4] =	stream.linear.scatter [tilespmem:s24], [sflag:$0x4], $0x80, $0x38;
	[tilespmem:$0x11A00] =	vst v63  }
0x185: {  	s31 =	simm.s32 $0xFDD8;
	s30 =	sadd.s32 $0x30, s1  }
0x186: {  	[hbm4b:s30+s4] =	stream.linear.scatter [tilespmem:s31], [sflag:$0x4], $0x80, $0x38;
	[tilespmem:$0x11A00] =	vst v63  }
0x187: {  	s17 =	sadd.s32 $0x40, s1;
	s19 =	simm.s32 $0xFE60  }
0x188: {  	[hbm4b:s17+s4] =	stream.linear.scatter [tilespmem:s19], [sflag:$0x4], $0x80, $0x38;
	[tilespmem:$0x11A00] =	vst v63  }
0x189: {  	s20 =	sadd.s32 $0x50, s1;
	s23 =	simm.s32 $0xFEE8  }
0x18a: {  	[hbm4b:s20+s4] =	stream.linear.scatter [tilespmem:s23], [sflag:$0x4], $0x80, $0x38;
	[tilespmem:$0x11A00] =	vst v63  }
0x18b: {  	s24 =	sadd.s32 $0x60, s1;
	s30 =	simm.s32 $0xFF70  }
0x18c: {  	[hbm4b:s24+s4] =	stream.linear.scatter [tilespmem:s30], [sflag:$0x4], $0x80, $0x38;
	[tilespmem:$0x11A00] =	vst v63  }
0x18d: {  	s1 =	sadd.s32 $0x70, s1;
	s31 =	simm.s32 $0xFFF8  }
0x18e: {  	[hbm4b:s1+s4] =	stream.linear.scatter [tilespmem:s31], [sflag:$0x4], $0x80, $0x38;
	[tilespmem:$0x11A00] =	vst v63  }
0x18f: {  	s17 =	simm.s32 $0x10080;
	s1 =	sadd.s32 s0, s9  }
0x190: {  	[hbm4b:s1+s4] =	stream.linear.scatter [tilespmem:s17], [sflag:$0x4], $0x80, $0x38;
	[tilespmem:$0x11A00] =	vst v63  }
0x191: {  	s20 =	simm.s32 $0x10108;
	s19 =	sadd.s32 $0x10, s1  }
0x192: {  	[hbm4b:s19+s4] =	stream.linear.scatter [tilespmem:s20], [sflag:$0x4], $0x80, $0x38;
	[tilespmem:$0x11A00] =	vst v63  }
0x193: {  	s24 =	simm.s32 $0x10190;
	s23 =	sadd.s32 $0x20, s1  }
0x194: {  	[hbm4b:s23+s4] =	stream.linear.scatter [tilespmem:s24], [sflag:$0x4], $0x80, $0x38;
	[tilespmem:$0x11A00] =	vst v63  }
0x195: {  	s31 =	simm.s32 $0x10218;
	s30 =	sadd.s32 $0x30, s1  }
0x196: {  	[hbm4b:s30+s4] =	stream.linear.scatter [tilespmem:s31], [sflag:$0x4], $0x80, $0x38;
	[tilespmem:$0x11A00] =	vst v63  }
0x197: {  	s17 =	sadd.s32 $0x40, s1;
	s19 =	simm.s32 $0x102A0  }
0x198: {  	[hbm4b:s17+s4] =	stream.linear.scatter [tilespmem:s19], [sflag:$0x4], $0x80, $0x38;
	[tilespmem:$0x11A00] =	vst v63  }
0x199: {  	s20 =	sadd.s32 $0x50, s1;
	s23 =	simm.s32 $0x10328  }
0x19a: {  	[hbm4b:s20+s4] =	stream.linear.scatter [tilespmem:s23], [sflag:$0x4], $0x80, $0x38;
	[tilespmem:$0x11A00] =	vst v63  }
0x19b: {  	s24 =	sadd.s32 $0x60, s1;
	s30 =	simm.s32 $0x103B0  }
0x19c: {  	[hbm4b:s24+s4] =	stream.linear.scatter [tilespmem:s30], [sflag:$0x4], $0x80, $0x38;
	[tilespmem:$0x11A00] =	vst v63  }
0x19d: {  	s1 =	sadd.s32 $0x70, s1;
	s31 =	simm.s32 $0x10438  }
0x19e: {  	[hbm4b:s1+s4] =	stream.linear.scatter [tilespmem:s31], [sflag:$0x4], $0x80, $0x38;
	[tilespmem:$0x11A00] =	vst v63  }
0x19f: {  	s17 =	simm.s32 $0x104C0;
	s1 =	sadd.s32 s0, s10  }
0x1a0: {  	[hbm4b:s1+s4] =	stream.linear.scatter [tilespmem:s17], [sflag:$0x4], $0x80, $0x38;
	[tilespmem:$0x11A00] =	vst v63  }
0x1a1: {  	s20 =	simm.s32 $0x10548;
	s19 =	sadd.s32 $0x10, s1  }
0x1a2: {  	[hbm4b:s19+s4] =	stream.linear.scatter [tilespmem:s20], [sflag:$0x4], $0x80, $0x38;
	[tilespmem:$0x11A00] =	vst v63  }
0x1a3: {  	s24 =	simm.s32 $0x105D0;
	s23 =	sadd.s32 $0x20, s1  }
0x1a4: {  	[hbm4b:s23+s4] =	stream.linear.scatter [tilespmem:s24], [sflag:$0x4], $0x80, $0x38;
	[tilespmem:$0x11A00] =	vst v63  }
0x1a5: {  	s31 =	simm.s32 $0x10658;
	s30 =	sadd.s32 $0x30, s1  }
0x1a6: {  	[hbm4b:s30+s4] =	stream.linear.scatter [tilespmem:s31], [sflag:$0x4], $0x80, $0x38;
	[tilespmem:$0x11A00] =	vst v63  }
0x1a7: {  	s17 =	sadd.s32 $0x40, s1;
	s19 =	simm.s32 $0x106E0  }
0x1a8: {  	[hbm4b:s17+s4] =	stream.linear.scatter [tilespmem:s19], [sflag:$0x4], $0x80, $0x38;
	[tilespmem:$0x11A00] =	vst v63  }
0x1a9: {  	s20 =	sadd.s32 $0x50, s1;
	s23 =	simm.s32 $0x10768  }
0x1aa: {  	[hbm4b:s20+s4] =	stream.linear.scatter [tilespmem:s23], [sflag:$0x4], $0x80, $0x38;
	[tilespmem:$0x11A00] =	vst v63  }
0x1ab: {  	s24 =	sadd.s32 $0x60, s1;
	s30 =	simm.s32 $0x107F0  }
0x1ac: {  	[hbm4b:s24+s4] =	stream.linear.scatter [tilespmem:s30], [sflag:$0x4], $0x80, $0x38;
	[tilespmem:$0x11A00] =	vst v63  }
0x1ad: {  	s1 =	sadd.s32 $0x70, s1;
	s31 =	simm.s32 $0x10878  }
0x1ae: {  	[hbm4b:s1+s4] =	stream.linear.scatter [tilespmem:s31], [sflag:$0x4], $0x80, $0x38;
	[tilespmem:$0x11A00] =	vst v63  }
0x1af: {  	s17 =	simm.s32 $0x10900;
	s1 =	sadd.s32 s0, s11  }
0x1b0: {  	[hbm4b:s1+s4] =	stream.linear.scatter [tilespmem:s17], [sflag:$0x4], $0x80, $0x38;
	[tilespmem:$0x11A00] =	vst v63  }
0x1b1: {  	s20 =	simm.s32 $0x10988;
	s19 =	sadd.s32 $0x10, s1  }
0x1b2: {  	[hbm4b:s19+s4] =	stream.linear.scatter [tilespmem:s20], [sflag:$0x4], $0x80, $0x38;
	[tilespmem:$0x11A00] =	vst v63  }
0x1b3: {  	s24 =	simm.s32 $0x10A10;
	s23 =	sadd.s32 $0x20, s1  }
0x1b4: {  	[hbm4b:s23+s4] =	stream.linear.scatter [tilespmem:s24], [sflag:$0x4], $0x80, $0x38;
	[tilespmem:$0x11A00] =	vst v63  }
0x1b5: {  	s31 =	simm.s32 $0x10A98;
	s30 =	sadd.s32 $0x30, s1  }
0x1b6: {  	[hbm4b:s30+s4] =	stream.linear.scatter [tilespmem:s31], [sflag:$0x4], $0x80, $0x38;
	[tilespmem:$0x11A00] =	vst v63  }
0x1b7: {  	s17 =	sadd.s32 $0x40, s1;
	s19 =	simm.s32 $0x10B20  }
0x1b8: {  	[hbm4b:s17+s4] =	stream.linear.scatter [tilespmem:s19], [sflag:$0x4], $0x80, $0x38;
	[tilespmem:$0x11A00] =	vst v63  }
0x1b9: {  	s20 =	sadd.s32 $0x50, s1;
	s23 =	simm.s32 $0x10BA8  }
0x1ba: {  	[hbm4b:s20+s4] =	stream.linear.scatter [tilespmem:s23], [sflag:$0x4], $0x80, $0x38;
	[tilespmem:$0x11A00] =	vst v63  }
0x1bb: {  	s24 =	sadd.s32 $0x60, s1;
	s30 =	simm.s32 $0x10C30  }
0x1bc: {  	[hbm4b:s24+s4] =	stream.linear.scatter [tilespmem:s30], [sflag:$0x4], $0x80, $0x38;
	[tilespmem:$0x11A00] =	vst v63  }
0x1bd: {  	s1 =	sadd.s32 $0x70, s1;
	s31 =	simm.s32 $0x10CB8  }
0x1be: {  	[hbm4b:s1+s4] =	stream.linear.scatter [tilespmem:s31], [sflag:$0x4], $0x80, $0x38;
	[tilespmem:$0x11A00] =	vst v63  }
0x1bf: {  	s17 =	simm.s32 $0x10D40;
	s1 =	sadd.s32 s0, s12  }
0x1c0: {  	[hbm4b:s1+s4] =	stream.linear.scatter [tilespmem:s17], [sflag:$0x4], $0x80, $0x38;
	[tilespmem:$0x11A00] =	vst v63  }
0x1c1: {  	s20 =	simm.s32 $0x10DC8;
	s19 =	sadd.s32 $0x10, s1  }
0x1c2: {  	[hbm4b:s19+s4] =	stream.linear.scatter [tilespmem:s20], [sflag:$0x4], $0x80, $0x38;
	[tilespmem:$0x11A00] =	vst v63  }
0x1c3: {  	s24 =	simm.s32 $0x10E50;
	s23 =	sadd.s32 $0x20, s1  }
0x1c4: {  	[hbm4b:s23+s4] =	stream.linear.scatter [tilespmem:s24], [sflag:$0x4], $0x80, $0x38;
	[tilespmem:$0x11A00] =	vst v63  }
0x1c5: {  	s31 =	simm.s32 $0x10ED8;
	s30 =	sadd.s32 $0x30, s1  }
0x1c6: {  	[hbm4b:s30+s4] =	stream.linear.scatter [tilespmem:s31], [sflag:$0x4], $0x80, $0x38;
	[tilespmem:$0x11A00] =	vst v63  }
0x1c7: {  	s19 =	sadd.s32 $0x40, s1;
	s20 =	simm.s32 $0x10F60  }
0x1c8: {  	[hbm4b:s19+s4] =	stream.linear.scatter [tilespmem:s20], [sflag:$0x4], $0x80, $0x38;
	[tilespmem:$0x11A00] =	vst v63  }
0x1c9: {  	s23 =	sadd.s32 $0x50, s1;
	s24 =	simm.s32 $0x10FE8  }
0x1ca: {  	[hbm4b:s23+s4] =	stream.linear.scatter [tilespmem:s24], [sflag:$0x4], $0x80, $0x38;
	[tilespmem:$0x11A00] =	vst v63  }
0x1cb: {  	s30 =	sadd.s32 $0x60, s1;
	s31 =	simm.s32 $0x11070  }
0x1cc: {  	[hbm4b:s30+s4] =	stream.linear.scatter [tilespmem:s31], [sflag:$0x4], $0x80, $0x38;
	[tilespmem:$0x11A00] =	vst v63  }
0x1cd: {  	s1 =	sadd.s32 $0x70, s1;
	s19 =	simm.s32 $0x110F8  }
0x1ce: {  	[hbm4b:s1+s4] =	stream.linear.scatter [tilespmem:s19], [sflag:$0x4], $0x80, $0x38;
	[tilespmem:$0x11A00] =	vst v63  }
0x1cf: {  	s20 =	simm.s32 $0x11180;
	s1 =	sadd.s32 s0, s13  }
0x1d0: {  	[hbm4b:s1+s4] =	stream.linear.scatter [tilespmem:s20], [sflag:$0x4], $0x80, $0x38;
	[tilespmem:$0x11A00] =	vst v63  }
0x1d1: {  	s24 =	simm.s32 $0x11208;
	s23 =	sadd.s32 $0x10, s1  }
0x1d2: {  	[hbm4b:s23+s4] =	stream.linear.scatter [tilespmem:s24], [sflag:$0x4], $0x80, $0x38;
	[tilespmem:$0x11A00] =	vst v63  }
0x1d3: {  	s31 =	simm.s32 $0x11290;
	s30 =	sadd.s32 $0x20, s1  }
0x1d4: {  	[hbm4b:s30+s4] =	stream.linear.scatter [tilespmem:s31], [sflag:$0x4], $0x80, $0x38;
	[tilespmem:$0x11A00] =	vst v63  }
0x1d5: {  	s19 =	sadd.s32 $0x30, s1;
	s20 =	simm.s32 $0x11318  }
0x1d6: {  	[hbm4b:s19+s4] =	stream.linear.scatter [tilespmem:s20], [sflag:$0x4], $0x80, $0x38;
	[tilespmem:$0x11A00] =	vst v63  }
0x1d7: {  	s23 =	sadd.s32 $0x40, s1;
	s24 =	simm.s32 $0x113A0  }
0x1d8: {  	[hbm4b:s23+s4] =	stream.linear.scatter [tilespmem:s24], [sflag:$0x4], $0x80, $0x38;
	[tilespmem:$0x11A00] =	vst v63  }
0x1d9: {  	s30 =	sadd.s32 $0x50, s1;
	s31 =	simm.s32 $0x11428  }
0x1da: {  	[hbm4b:s30+s4] =	stream.linear.scatter [tilespmem:s31], [sflag:$0x4], $0x80, $0x38;
	[tilespmem:$0x11A00] =	vst v63  }
0x1db: {  	s19 =	sadd.s32 $0x60, s1;
	s20 =	simm.s32 $0x114B0  }
0x1dc: {  	[hbm4b:s19+s4] =	stream.linear.scatter [tilespmem:s20], [sflag:$0x4], $0x80, $0x38;
	[tilespmem:$0x11A00] =	vst v63  }
0x1dd: {  	s1 =	sadd.s32 $0x70, s1;
	s23 =	simm.s32 $0x11538  }
0x1de: {  	[hbm4b:s1+s4] =	stream.linear.scatter [tilespmem:s23], [sflag:$0x4], $0x80, $0x38;
	[tilespmem:$0x11A00] =	vst v63  }
0x1df: {  	s0 =	sadd.s32 s0, s14;
	s24 =	simm.s32 $0x115C0  }
0x1e0: {  	[hbm4b:s0+s4] =	stream.linear.scatter [tilespmem:s24], [sflag:$0x4], $0x80, $0x38;
	[tilespmem:$0x11A00] =	vst v63  }
0x1e1: {  	s30 =	sadd.s32 $0x10, s0;
	s31 =	simm.s32 $0x11648  }
0x1e2: {  	[hbm4b:s30+s4] =	stream.linear.scatter [tilespmem:s31], [sflag:$0x4], $0x80, $0x38;
	[tilespmem:$0x11A00] =	vst v63  }
0x1e3: {  	s17 =	simm.s32 $0x116D0;
	s2 =	sadd.s32 $0x20, s0  }
0x1e4: {  	[hbm4b:s2+s4] =	stream.linear.scatter [tilespmem:s17], [sflag:$0x4], $0x80, $0x38;
	[tilespmem:$0x11A00] =	vst v63  }
0x1e5: {  	s19 =	sadd.s32 $0x30, s0;
	s20 =	simm.s32 $0x11758  }
0x1e6: {  	[hbm4b:s19+s4] =	stream.linear.scatter [tilespmem:s20], [sflag:$0x4], $0x80, $0x38;
	[tilespmem:$0x11A00] =	vst v63  }
0x1e7: {  	s29 =	sadd.s32 $0x1, s29;
	s23 =	sadd.s32 $0x40, s0;
	s24 =	simm.s32 $0x117E0  }
0x1e8: {  	[hbm4b:s23+s4] =	stream.linear.scatter [tilespmem:s24], [sflag:$0x4], $0x80, $0x38;
	[tilespmem:$0x11A00] =	vst v63  }
0x1e9: {  	p0 =	sne.s32 s29, $0x64;
	s30 =	sadd.s32 $0x50, s0  }
0x1ea: {  	[hbm4b:s30+s4] =	stream.linear.scatter [tilespmem:s25], [sflag:$0x4], $0x80, $0x38;
	[tilespmem:$0x11A00] =	vst v63  }
.Ltmp5:
0x1eb: {  	_ = 	snop;
	(pc) =	sbr.rel @p0 .LBB2_2-.Ltmp5, $4  }
0x1ec: {  	s31 =	sadd.s32 $0x60, s0  }
0x1ed: {  	[hbm4b:s31+s4] =	stream.linear.scatter [tilespmem:s26], [sflag:$0x4], $0x80, $0x38;
	[tilespmem:$0x11A00] =	vst v63  }
0x1ee: {  	s0 =	sadd.s32 $0x70, s0  }
0x1ef: {  	[hbm4b:s0+s4] =	stream.linear.scatter [tilespmem:s28], [sflag:$0x4], $0x80, $0x38;
	[tilespmem:$0x11A00] =	vst v63  }
0x1f0: {  	s0 =	simm.s32 $0x3  }
0x1f1: {  	_ =	swait.ge [sflag:s0], $0x400  }
0x1f2: {  	[sflag:s0] =	ssyncset.done $0x0  }
0x1f3: {  	[sflag:s0] =	ssyncadd.s32 $0xFFFFFC00  }
0x1f4: {  	_ =	swait.ge [sflag:s0], $0x400  }
0x1f5: {  	[sflag:s0] =	ssyncset.done $0x0  }
0x1f6: {  	[sflag:s0] =	ssyncadd.s32 $0xFFFFFC00  }
0x1f7: {  	_ =	swait.ge [sflag:s0], $0x400  }
0x1f8: {  	[sflag:s0] =	ssyncset.done $0x0  }
0x1f9: {  	[sflag:s0] =	ssyncadd.s32 $0xFFFFFC00  }
0x1fa: {  	_ =	swait.ge [sflag:s0], $0x400  }
0x1fb: {  	[sflag:s0] =	ssyncset.done $0x0  }
0x1fc: {  	[sflag:s0] =	ssyncadd.s32 $0xFFFFFC00  }
0x1fd: {  	_ =	swait.ge [sflag:s0], $0x400  }
0x1fe: {  	[sflag:s0] =	ssyncset.done $0x0  }
0x1ff: {  	[sflag:s0] =	ssyncadd.s32 $0xFFFFFC00  }
0x200: {  	_ =	swait.ge [sflag:s0], $0x400  }
0x201: {  	[sflag:s0] =	ssyncset.done $0x0  }
0x202: {  	[sflag:s0] =	ssyncadd.s32 $0xFFFFFC00  }
0x203: {  	_ =	swait.ge [sflag:s0], $0x400  }
0x204: {  	[sflag:s0] =	ssyncset.done $0x0  }
0x205: {  	[sflag:s0] =	ssyncadd.s32 $0xFFFFFC00  }
0x206: {  	_ =	swait.ge [sflag:s0], $0x400  }
0x207: {  	[sflag:s0] =	ssyncset.done $0x0  }
0x208: {  	[sflag:s0] =	ssyncadd.s32 $0xFFFFFC00  }
0x209: {  	_ =	swait.ge [sflag:s15], $0x400  }
0x20a: {  	[sflag:s15] =	ssyncset.done $0x0  }
0x20b: {  	[sflag:s15] =	ssyncadd.s32 $0xFFFFFC00  }
0x20c: {  	_ =	swait.ge [sflag:s15], $0x400  }
0x20d: {  	[sflag:s15] =	ssyncset.done $0x0  }
0x20e: {  	[sflag:s15] =	ssyncadd.s32 $0xFFFFFC00  }
0x20f: {  	_ =	swait.ge [sflag:s15], $0x400  }
0x210: {  	[sflag:s15] =	ssyncset.done $0x0  }
0x211: {  	[sflag:s15] =	ssyncadd.s32 $0xFFFFFC00  }
0x212: {  	_ =	swait.ge [sflag:s15], $0x400  }
0x213: {  	[sflag:s15] =	ssyncset.done $0x0  }
0x214: {  	[sflag:s15] =	ssyncadd.s32 $0xFFFFFC00  }
0x215: {  	_ =	swait.ge [sflag:s15], $0x400  }
0x216: {  	[sflag:s15] =	ssyncset.done $0x0  }
0x217: {  	[sflag:s15] =	ssyncadd.s32 $0xFFFFFC00  }
0x218: {  	_ =	swait.ge [sflag:s15], $0x400  }
0x219: {  	[sflag:s15] =	ssyncset.done $0x0  }
0x21a: {  	[sflag:s15] =	ssyncadd.s32 $0xFFFFFC00  }
0x21b: {  	_ =	swait.ge [sflag:s15], $0x400  }
0x21c: {  	[sflag:s15] =	ssyncset.done $0x0  }
0x21d: {  	[sflag:s15] =	ssyncadd.s32 $0xFFFFFC00  }
0x21e: {  	_ =	swait.ge [sflag:s15], $0x400  }
0x21f: {  	s1 =	rddreg [dreg:$0x7]  }
0x220: {  	s31 =	rddreg [dreg:$0x6];
	s1 =	sadd.s32 $0x1, s1  }
0x221: {  	p0 =	sne.s32 s1, s31  }
.Ltmp6:
0x222: {  	_ = 	snop;
	(pc) =	sbr.rel @p0 .LBB2_1-.Ltmp6, $3  }
0x223: {  	_ =	sdelay $0x1  }
0x224: {  	[sflag:s15] =	ssyncset.done $0x0  }
0x225: {  	[sflag:s15] =	ssyncadd.s32 $0xFFFFFC00  }
0x226: {  	_ =	sfence.sel $0x180000  }
0x227: {  	[bflag:$0x0] =	sbarrier.arrive $0xFFFF  }
0x228: {  	_ =	strace $0x90000047  }
0x229: {  	s0 =	stileid.u32;
	[bflag:$0x2] =	sbarrier.arrive $0xFFFF  }
0x22a: {  	p0 =	sne.s32 s0, $0x0;
	s0 =	rddreg [dreg:$0x4]  }
0x22b: {  	s0 =	sadd.s32 @!p0 $0x100000, s0  }
0x22c: {  	[sflag:s0] =	ssyncadd.tile.s32 @!p0 $0x1;
	_ =	shalt  }
.Lfunc_end2:
_tile_overlayer_lowered:
.L_overlay_start_2:
0x22d: {  	(tag) =	ssettag $0x2  }
0x22e: {  	s0 =	rddreg [dreg:$0x0];
	s2 =	stileid.u32  }
0x22f: {  	s1 =	rddreg [dreg:$0x1];
	p0 =	sne.s32 s2, $0x0  }
0x230: {  	s3 =	rddreg [dreg:$0x2];
	[bflag:$0x3] =	sbarrier.arrive $0xFFFF;
	s2 =	simm.s32 @!p0 $0x1C05  }
0x231: {  	[timem:s3], [sflag:s2] =	dma.local @!p0 [hbm:s0], s1  }
0x232: {  	s0 =	simm.s32 @!p0 $0x5  }
0x233: {  	_ =	swait.ge @!p0 [sflag:s0], s1  }
0x234: {  	s1 =	ssub.s32 @!p0 $0x0, s1;
	[sflag:s0] =	ssyncset.done @!p0 $0x0  }
0x235: {  	[sflag:s0] =	ssyncadd.s32 @!p0 s1  }
0x236: {  	[bflag:$0x3] =	sbarrier.arrive $0xFFFF  }
0x237: {  	_ =	shalt  }

</sc_bundles>
